<compile_context>
chip_gen: v7x
topology: tpu7x:2x2x1
jax: 0.10.2.dev20260603
libtpu: 0.0.44.dev20260713+nightly
codegen_flags: <defaults>
</compile_context>

<pallas_src>
import functools

import jax
import jax.numpy as jnp
from jax import lax
from jax.experimental import pallas as pl
from jax.experimental.pallas import tpu as pltpu
from jax.experimental.pallas import tpu_sc as plsc

RES = 128.0
TABLE_ROWS = 2 ** 19
TABLE_MAX = TABLE_ROWS - 1
TB = TABLE_ROWS // 128
N = 1_000_000
D = 8
L = 16
NB = -(-N // 128)
NPAD = NB * 128

_INFO = plsc.get_sparse_core_info()
NC, NS = _INFO.num_cores, _INFO.num_subcores
NW = NC * NS
PER_WB = -(-NB // NW)
CB = 16
CP = CB * 128
NCHUNK = -(-PER_WB // CB)
TB_PER_S = TB // NS

_MESH = plsc.VectorSubcoreMesh(core_axis_name="c", subcore_axis_name="s")


@functools.partial(
    pl.kernel,
    mesh=_MESH,
    compiler_params=pltpu.CompilerParams(
        needs_layout_passes=False, use_tc_tiling_on_sc=False
    ),
    out_type=(
        jax.ShapeDtypeStruct((NB * D * 128,), jnp.float32),
        jax.ShapeDtypeStruct((TABLE_ROWS, D), jnp.float32),
    ),
    scratch_types=[
        pltpu.VMEM((8, D), jnp.float32),
        pltpu.VMEM((1024,), jnp.float32),
        pltpu.VMEM((128, D), jnp.float32),
        pltpu.VMEM((CP,), jnp.float32),
        pltpu.VMEM((CP,), jnp.float32),
        pltpu.VMEM((CP,), jnp.float32),
        pltpu.VMEM((CP,), jnp.int32),
        pltpu.VMEM((CP,), jnp.int32),
        pltpu.VMEM((CP, D), jnp.float32),
        pltpu.VMEM((CB * D * 128,), jnp.float32),
        pltpu.SemaphoreType.DMA,
    ],
)
def _hash_gather(x_hbm, y_hbm, z_hbm, traw_hbm, out_hbm, tbl_hbm,
                 hot_v, line_v, stage_v, x_v, y_v, z_v, idx_v, orig_v, rows_v,
                 blk_v, sem):
    cid = lax.axis_index("c")
    sid = lax.axis_index("s")
    wid = sid * NC + cid
    worker_b = jnp.minimum(wid * PER_WB, NB - PER_WB)
    lane = lax.iota(jnp.int32, L)

    def relayout(b, _):
        tb = sid * TB_PER_S + b
        pltpu.sync_copy(traw_hbm.at[pl.ds(tb * 1024, 1024)], line_v)
        for i in range(8):
            row = i * L + lane
            for k in range(D):
                v = line_v[pl.ds(k * 128 + i * L, L)]
                plsc.store_scatter(
                    stage_v, [row, jnp.full((L,), k, jnp.int32)], v)
        pltpu.sync_copy(stage_v, tbl_hbm.at[pl.ds(tb * 128, 128)])
        return _

    lax.fori_loop(0, TB_PER_S, relayout, None)
    plsc.subcore_barrier()

    pltpu.sync_copy(tbl_hbm.at[pl.ds(TABLE_ROWS - 8, 8)], hot_v)
    hot_f = [
        plsc.load_gather(
            hot_v,
            [jnp.full((L,), 7, jnp.int32), jnp.full((L,), k, jnp.int32)],
        )
        for k in range(D)
    ]

    def point_math(j, shift):
        p = jnp.minimum(j * L + shift, CP - L)
        x = x_v[pl.ds(p, L)]
        y = y_v[pl.ds(p, L)]
        z = z_v[pl.ds(p, L)]
        xs = jnp.clip((x + 1.0) * 0.5 * RES, 0.0, RES - 1.0)
        ys = jnp.clip((y + 1.0) * 0.5 * RES, 0.0, RES - 1.0)
        zs = jnp.clip((z + 1.0) * 0.5 * RES, 0.0, RES - 1.0)
        f = xs * (RES * RES) + ys * RES + zs
        return jnp.clip(f.astype(jnp.int32), 0, TABLE_MAX)

    def chunk_body(ci, _):
        block = worker_b + jnp.minimum(ci * CB, PER_WB - CB)
        base = block * 128
        base_p = jnp.minimum(base, N - CP)
        shift = base - base_p
        pltpu.sync_copy(x_hbm.at[pl.ds(base_p, CP)], x_v)
        pltpu.sync_copy(y_hbm.at[pl.ds(base_p, CP)], y_v)
        pltpu.sync_copy(z_hbm.at[pl.ds(base_p, CP)], z_v)

        def grp(j, _):
            idx = point_math(j, shift)
            idx_v[pl.ds(j * L, L)] = jnp.where(idx >= TABLE_MAX, -1, idx)
            orig_v[pl.ds(j * L, L)] = idx
            return _

        lax.fori_loop(0, CP // L, grp, None)
        pltpu.async_copy(
            tbl_hbm.at[plsc.Indices(idx_v, ignored_value=-1)], rows_v, sem
        ).wait()

        def sel(j, _):
            orig = orig_v[pl.ds(j * L, L)]
            row = j * L + lane
            hot_m = orig >= TABLE_MAX
            off = (j >> 3) * (D * 128) + (j & 7) * L
            for k in range(D):
                w = plsc.load_gather(rows_v, [row, jnp.full((L,), k, jnp.int32)])
                blk_v[pl.ds(off + k * 128, L)] = jnp.where(hot_m, hot_f[k], w)
            return _

        lax.fori_loop(0, CP // L, sel, None)
        pltpu.sync_copy(blk_v, out_hbm.at[pl.ds(block * (D * 128), CB * D * 128)])
        return _

    lax.fori_loop(0, NCHUNK, chunk_body, None)


def kernel(positions, table):
    traw = jnp.transpose(
        table.reshape(TB, 128, D), (0, 2, 1)
    ).reshape(TB * 128 * D)
    out1d, _ = _hash_gather(
        positions[:, 0], positions[:, 1], positions[:, 2], traw
    )
    out = jnp.transpose(out1d.reshape(NB, D, 128), (0, 2, 1)).reshape(NPAD, D)
    return lax.slice(out, (0, 0), (N, D))

# --- scband reference (transcript-rebuilt; emitter-appended) ---
"""Pipeline reference for scband-hash-encoder-11587821765188 (READ-ONLY COPY).

The authoritative reference and input builder live on the scoring server;
editing this copy changes nothing except your own understanding.
"""

import jax, jax.numpy as jnp
import numpy as np

RESOLUTION = 128
FEATURE_DIM = 8
TABLE_SIZE = min(RESOLUTION ** 3, 2 ** 19)


def setup_inputs(seed: int = 0) -> dict:
    key = jax.random.key(seed)
    k1, k2 = jax.random.split(key)
    # positions in [-1, 1]^3
    positions = jax.random.uniform(k1, (1000000, 3), dtype=jnp.float32) * 2.0 - 1.0
    # xavier_uniform init for embedding table
    bound = float(np.sqrt(6.0 / (TABLE_SIZE + FEATURE_DIM)))
    table = jax.random.uniform(k2, (TABLE_SIZE, FEATURE_DIM), dtype=jnp.float32, minval=-bound, maxval=bound)
    return {"positions": positions, "table": table}


def reference(positions, table):
    pos_scaled = (positions + 1.0) * 0.5 * RESOLUTION
    pos_scaled = jnp.clip(pos_scaled, 0.0, RESOLUTION - 1)
    indices = (pos_scaled[..., 0] * (RESOLUTION ** 2)
               + pos_scaled[..., 1] * RESOLUTION
               + pos_scaled[..., 2]).astype(jnp.int64)
    indices = jnp.clip(indices, 0, TABLE_SIZE - 1)
    return jnp.take(table, indices, axis=0)

if __name__ == "__main__":
    import jax
    _d = setup_inputs()
    print(jax.jit(kernel)(*tuple(_d.values())))

</pallas_src>

<mosaic_0001>
#map = affine_map<(d0, d1) -> (0)>
#map1 = affine_map<(d0, d1) -> (0, 0)>
module attributes {stable_mosaic.version = 14 : i64} {
  func.func @_hash_gather(%arg0: i32, %arg1: i32, %arg2: memref<1000000xf32, #tpu.memory_space<hbm>>, %arg3: memref<1000000xf32, #tpu.memory_space<hbm>>, %arg4: memref<1000000xf32, #tpu.memory_space<hbm>>, %arg5: memref<4194304xf32, #tpu.memory_space<hbm>>, %arg6: memref<8000512xf32, #tpu.memory_space<hbm>>, %arg7: memref<524288x8xf32, #tpu.memory_space<hbm>>, %arg8: memref<8x8xf32, #tpu.memory_space<vmem>>, %arg9: memref<1024xf32, #tpu.memory_space<vmem>>, %arg10: memref<128x8xf32, #tpu.memory_space<vmem>>, %arg11: memref<2048xf32, #tpu.memory_space<vmem>>, %arg12: memref<2048xf32, #tpu.memory_space<vmem>>, %arg13: memref<2048xf32, #tpu.memory_space<vmem>>, %arg14: memref<2048xi32, #tpu.memory_space<vmem>>, %arg15: memref<2048xi32, #tpu.memory_space<vmem>>, %arg16: memref<2048x8xf32, #tpu.memory_space<vmem>>, %arg17: memref<16384xf32, #tpu.memory_space<vmem>>, %arg18: memref<!tpu.dma_semaphore, #tpu.memory_space<semaphore_mem>>) attributes {dimension_semantics = [#tpu.dimension_semantics<core_parallel>, #tpu.dimension_semantics<subcore_parallel>], iteration_bounds = array<i64: 2, 16>, scalar_prefetch = 0 : i64, scratch_operands = 11 : i64, tpu.core_type = #tpu.core_type<sc_vector_subcore>, window_params = [{transform_indices = #map}, {transform_indices = #map}, {transform_indices = #map}, {transform_indices = #map}, {transform_indices = #map}, {transform_indices = #map1}]} {
    %mul3A = arith.constant 2 : i32
    %mul3A_0 = arith.muli %arg1, %mul3A : i32
    %add3A = arith.addi %mul3A_0, %arg0 : i32
    %mul3A_1 = arith.constant 245 : i32
    %mul3A_2 = arith.muli %add3A, %mul3A_1 : i32
    %min3A = arith.constant 7568 : i32
    %min3A_3 = arith.minsi %mul3A_2, %min3A : i32
    %iota3A = tpu.iota {dimensions = array<i32: 0>} : vector<16xi32>
    %scan3A = arith.constant 0 : i32
    %scan3A_4 = arith.constant 256 : i32
    %scan3A_5 = arith.addi %scan3A, %scan3A_4 : i32
    %scan3A_6 = arith.constant 1 : i32
    scf.for %scan3A_51 = %scan3A to %scan3A_5 step %scan3A_6  : i32 {
      %mul3A_52 = arith.constant 256 : i32
      %mul3A_53 = arith.muli %arg1, %mul3A_52 : i32
      %add3A_54 = arith.addi %mul3A_53, %scan3A_51 : i32
      %mul3A_55 = arith.constant 1024 : i32
      %mul3A_56 = arith.muli %add3A_54, %mul3A_55 : i32
      "tpu.region"() ({
        %run_scoped3A = tpu.sem_alloc : memref<!tpu.dma_semaphore, #tpu.memory_space<semaphore_mem>>
        %dma_start3A = tpu.memref_slice %arg5[%mul3A_56] : memref<4194304xf32, #tpu.memory_space<hbm>> -> memref<1024xf32, #tpu.memory_space<hbm>>
        %dma_start3A_338 = tpu.memref_slice %arg5[%mul3A_56] : memref<4194304xf32, #tpu.memory_space<hbm>> -> memref<1024xf32, #tpu.memory_space<hbm>>
        tpu.enqueue_dma source(%dma_start3A_338 : memref<1024xf32, #tpu.memory_space<hbm>>) target(%arg9 : memref<1024xf32, #tpu.memory_space<vmem>>) target_semaphore(%run_scoped3A : memref<!tpu.dma_semaphore, #tpu.memory_space<semaphore_mem>>)
        %dma_wait3A = tpu.memref_slice %arg5[%mul3A_56] : memref<4194304xf32, #tpu.memory_space<hbm>> -> memref<1024xf32, #tpu.memory_space<hbm>>
        %dma_wait3A_339 = tpu.memref_slice %arg5[%mul3A_56] : memref<4194304xf32, #tpu.memory_space<hbm>> -> memref<1024xf32, #tpu.memory_space<hbm>>
        tpu.wait_dma2 semaphore(%run_scoped3A : memref<!tpu.dma_semaphore, #tpu.memory_space<semaphore_mem>>) src(%dma_wait3A_339 : memref<1024xf32, #tpu.memory_space<hbm>>) dst(%arg9 : memref<1024xf32, #tpu.memory_space<vmem>>)
        tpu.yield
      }) : () -> ()
      %add3A_57 = arith.constant 0 : i32
      %add3A_58 = vector.broadcast %add3A_57 : i32 to vector<16xi32>
      %add3A_59 = arith.addi %add3A_58, %iota3A : vector<16xi32>
      %get3A = arith.constant 0 : index
      %get3A_60 = tpu.vector_load %arg9[%get3A] {strides = array<i32>} : memref<1024xf32, #tpu.memory_space<vmem>>, vector<16xf32>,
      %broadcast_in_dim3A_61 = arith.constant 0 : i32
      %broadcast_in_dim3A_62 = vector.broadcast %broadcast_in_dim3A_61 : i32 to vector<16xi32>
      tpu.vector_store_idx %arg10[%add3A_59, %broadcast_in_dim3A_62], %get3A_60 : memref<128x8xf32, #tpu.memory_space<vmem>>[vector<16xi32>, vector<16xi32>], vector<16xf32>,
      %get3A_63 = arith.constant 128 : index
      %get3A_64 = tpu.vector_load %arg9[%get3A_63] {strides = array<i32>} : memref<1024xf32, #tpu.memory_space<vmem>>, vector<16xf32>,
      %broadcast_in_dim3A_65 = arith.constant 1 : i32
      %broadcast_in_dim3A_66 = vector.broadcast %broadcast_in_dim3A_65 : i32 to vector<16xi32>
      tpu.vector_store_idx %arg10[%add3A_59, %broadcast_in_dim3A_66], %get3A_64 : memref<128x8xf32, #tpu.memory_space<vmem>>[vector<16xi32>, vector<16xi32>], vector<16xf32>,
      %get3A_67 = arith.constant 256 : index
      %get3A_68 = tpu.vector_load %arg9[%get3A_67] {strides = array<i32>} : memref<1024xf32, #tpu.memory_space<vmem>>, vector<16xf32>,
      %broadcast_in_dim3A_69 = arith.constant 2 : i32
      %broadcast_in_dim3A_70 = vector.broadcast %broadcast_in_dim3A_69 : i32 to vector<16xi32>
      tpu.vector_store_idx %arg10[%add3A_59, %broadcast_in_dim3A_70], %get3A_68 : memref<128x8xf32, #tpu.memory_space<vmem>>[vector<16xi32>, vector<16xi32>], vector<16xf32>,
      %get3A_71 = arith.constant 384 : index
      %get3A_72 = tpu.vector_load %arg9[%get3A_71] {strides = array<i32>} : memref<1024xf32, #tpu.memory_space<vmem>>, vector<16xf32>,
      %broadcast_in_dim3A_73 = arith.constant 3 : i32
      %broadcast_in_dim3A_74 = vector.broadcast %broadcast_in_dim3A_73 : i32 to vector<16xi32>
      tpu.vector_store_idx %arg10[%add3A_59, %broadcast_in_dim3A_74], %get3A_72 : memref<128x8xf32, #tpu.memory_space<vmem>>[vector<16xi32>, vector<16xi32>], vector<16xf32>,
      %get3A_75 = arith.constant 512 : index
      %get3A_76 = tpu.vector_load %arg9[%get3A_75] {strides = array<i32>} : memref<1024xf32, #tpu.memory_space<vmem>>, vector<16xf32>,
      %broadcast_in_dim3A_77 = arith.constant 4 : i32
      %broadcast_in_dim3A_78 = vector.broadcast %broadcast_in_dim3A_77 : i32 to vector<16xi32>
      tpu.vector_store_idx %arg10[%add3A_59, %broadcast_in_dim3A_78], %get3A_76 : memref<128x8xf32, #tpu.memory_space<vmem>>[vector<16xi32>, vector<16xi32>], vector<16xf32>,
      %get3A_79 = arith.constant 640 : index
      %get3A_80 = tpu.vector_load %arg9[%get3A_79] {strides = array<i32>} : memref<1024xf32, #tpu.memory_space<vmem>>, vector<16xf32>,
      %broadcast_in_dim3A_81 = arith.constant 5 : i32
      %broadcast_in_dim3A_82 = vector.broadcast %broadcast_in_dim3A_81 : i32 to vector<16xi32>
      tpu.vector_store_idx %arg10[%add3A_59, %broadcast_in_dim3A_82], %get3A_80 : memref<128x8xf32, #tpu.memory_space<vmem>>[vector<16xi32>, vector<16xi32>], vector<16xf32>,
      %get3A_83 = arith.constant 768 : index
      %get3A_84 = tpu.vector_load %arg9[%get3A_83] {strides = array<i32>} : memref<1024xf32, #tpu.memory_space<vmem>>, vector<16xf32>,
      %broadcast_in_dim3A_85 = arith.constant 6 : i32
      %broadcast_in_dim3A_86 = vector.broadcast %broadcast_in_dim3A_85 : i32 to vector<16xi32>
      tpu.vector_store_idx %arg10[%add3A_59, %broadcast_in_dim3A_86], %get3A_84 : memref<128x8xf32, #tpu.memory_space<vmem>>[vector<16xi32>, vector<16xi32>], vector<16xf32>,
      %get3A_87 = arith.constant 896 : index
      %get3A_88 = tpu.vector_load %arg9[%get3A_87] {strides = array<i32>} : memref<1024xf32, #tpu.memory_space<vmem>>, vector<16xf32>,
      %broadcast_in_dim3A_89 = arith.constant 7 : i32
      %broadcast_in_dim3A_90 = vector.broadcast %broadcast_in_dim3A_89 : i32 to vector<16xi32>
      tpu.vector_store_idx %arg10[%add3A_59, %broadcast_in_dim3A_90], %get3A_88 : memref<128x8xf32, #tpu.memory_space<vmem>>[vector<16xi32>, vector<16xi32>], vector<16xf32>,
      %add3A_91 = arith.constant 16 : i32
      %add3A_92 = vector.broadcast %add3A_91 : i32 to vector<16xi32>
      %add3A_93 = arith.addi %add3A_92, %iota3A : vector<16xi32>
      %get3A_94 = arith.constant 16 : index
      %get3A_95 = tpu.vector_load %arg9[%get3A_94] {strides = array<i32>} : memref<1024xf32, #tpu.memory_space<vmem>>, vector<16xf32>,
      %broadcast_in_dim3A_96 = arith.constant 0 : i32
      %broadcast_in_dim3A_97 = vector.broadcast %broadcast_in_dim3A_96 : i32 to vector<16xi32>
      tpu.vector_store_idx %arg10[%add3A_93, %broadcast_in_dim3A_97], %get3A_95 : memref<128x8xf32, #tpu.memory_space<vmem>>[vector<16xi32>, vector<16xi32>], vector<16xf32>,
      %get3A_98 = arith.constant 144 : index
      %get3A_99 = tpu.vector_load %arg9[%get3A_98] {strides = array<i32>} : memref<1024xf32, #tpu.memory_space<vmem>>, vector<16xf32>,
      %broadcast_in_dim3A_100 = arith.constant 1 : i32
      %broadcast_in_dim3A_101 = vector.broadcast %broadcast_in_dim3A_100 : i32 to vector<16xi32>
      tpu.vector_store_idx %arg10[%add3A_93, %broadcast_in_dim3A_101], %get3A_99 : memref<128x8xf32, #tpu.memory_space<vmem>>[vector<16xi32>, vector<16xi32>], vector<16xf32>,
      %get3A_102 = arith.constant 272 : index
      %get3A_103 = tpu.vector_load %arg9[%get3A_102] {strides = array<i32>} : memref<1024xf32, #tpu.memory_space<vmem>>, vector<16xf32>,
      %broadcast_in_dim3A_104 = arith.constant 2 : i32
      %broadcast_in_dim3A_105 = vector.broadcast %broadcast_in_dim3A_104 : i32 to vector<16xi32>
      tpu.vector_store_idx %arg10[%add3A_93, %broadcast_in_dim3A_105], %get3A_103 : memref<128x8xf32, #tpu.memory_space<vmem>>[vector<16xi32>, vector<16xi32>], vector<16xf32>,
      %get3A_106 = arith.constant 400 : index
      %get3A_107 = tpu.vector_load %arg9[%get3A_106] {strides = array<i32>} : memref<1024xf32, #tpu.memory_space<vmem>>, vector<16xf32>,
      %broadcast_in_dim3A_108 = arith.constant 3 : i32
      %broadcast_in_dim3A_109 = vector.broadcast %broadcast_in_dim3A_108 : i32 to vector<16xi32>
      tpu.vector_store_idx %arg10[%add3A_93, %broadcast_in_dim3A_109], %get3A_107 : memref<128x8xf32, #tpu.memory_space<vmem>>[vector<16xi32>, vector<16xi32>], vector<16xf32>,
      %get3A_110 = arith.constant 528 : index
      %get3A_111 = tpu.vector_load %arg9[%get3A_110] {strides = array<i32>} : memref<1024xf32, #tpu.memory_space<vmem>>, vector<16xf32>,
      %broadcast_in_dim3A_112 = arith.constant 4 : i32
      %broadcast_in_dim3A_113 = vector.broadcast %broadcast_in_dim3A_112 : i32 to vector<16xi32>
      tpu.vector_store_idx %arg10[%add3A_93, %broadcast_in_dim3A_113], %get3A_111 : memref<128x8xf32, #tpu.memory_space<vmem>>[vector<16xi32>, vector<16xi32>], vector<16xf32>,
      %get3A_114 = arith.constant 656 : index
      %get3A_115 = tpu.vector_load %arg9[%get3A_114] {strides = array<i32>} : memref<1024xf32, #tpu.memory_space<vmem>>, vector<16xf32>,
      %broadcast_in_dim3A_116 = arith.constant 5 : i32
      %broadcast_in_dim3A_117 = vector.broadcast %broadcast_in_dim3A_116 : i32 to vector<16xi32>
      tpu.vector_store_idx %arg10[%add3A_93, %broadcast_in_dim3A_117], %get3A_115 : memref<128x8xf32, #tpu.memory_space<vmem>>[vector<16xi32>, vector<16xi32>], vector<16xf32>,
      %get3A_118 = arith.constant 784 : index
      %get3A_119 = tpu.vector_load %arg9[%get3A_118] {strides = array<i32>} : memref<1024xf32, #tpu.memory_space<vmem>>, vector<16xf32>,
      %broadcast_in_dim3A_120 = arith.constant 6 : i32
      %broadcast_in_dim3A_121 = vector.broadcast %broadcast_in_dim3A_120 : i32 to vector<16xi32>
      tpu.vector_store_idx %arg10[%add3A_93, %broadcast_in_dim3A_121], %get3A_119 : memref<128x8xf32, #tpu.memory_space<vmem>>[vector<16xi32>, vector<16xi32>], vector<16xf32>,
      %get3A_122 = arith.constant 912 : index
      %get3A_123 = tpu.vector_load %arg9[%get3A_122] {strides = array<i32>} : memref<1024xf32, #tpu.memory_space<vmem>>, vector<16xf32>,
      %broadcast_in_dim3A_124 = arith.constant 7 : i32
      %broadcast_in_dim3A_125 = vector.broadcast %broadcast_in_dim3A_124 : i32 to vector<16xi32>
      tpu.vector_store_idx %arg10[%add3A_93, %broadcast_in_dim3A_125], %get3A_123 : memref<128x8xf32, #tpu.memory_space<vmem>>[vector<16xi32>, vector<16xi32>], vector<16xf32>,
      %add3A_126 = arith.constant 32 : i32
      %add3A_127 = vector.broadcast %add3A_126 : i32 to vector<16xi32>
      %add3A_128 = arith.addi %add3A_127, %iota3A : vector<16xi32>
      %get3A_129 = arith.constant 32 : index
      %get3A_130 = tpu.vector_load %arg9[%get3A_129] {strides = array<i32>} : memref<1024xf32, #tpu.memory_space<vmem>>, vector<16xf32>,
      %broadcast_in_dim3A_131 = arith.constant 0 : i32
      %broadcast_in_dim3A_132 = vector.broadcast %broadcast_in_dim3A_131 : i32 to vector<16xi32>
      tpu.vector_store_idx %arg10[%add3A_128, %broadcast_in_dim3A_132], %get3A_130 : memref<128x8xf32, #tpu.memory_space<vmem>>[vector<16xi32>, vector<16xi32>], vector<16xf32>,
      %get3A_133 = arith.constant 160 : index
      %get3A_134 = tpu.vector_load %arg9[%get3A_133] {strides = array<i32>} : memref<1024xf32, #tpu.memory_space<vmem>>, vector<16xf32>,
      %broadcast_in_dim3A_135 = arith.constant 1 : i32
      %broadcast_in_dim3A_136 = vector.broadcast %broadcast_in_dim3A_135 : i32 to vector<16xi32>
      tpu.vector_store_idx %arg10[%add3A_128, %broadcast_in_dim3A_136], %get3A_134 : memref<128x8xf32, #tpu.memory_space<vmem>>[vector<16xi32>, vector<16xi32>], vector<16xf32>,
      %get3A_137 = arith.constant 288 : index
      %get3A_138 = tpu.vector_load %arg9[%get3A_137] {strides = array<i32>} : memref<1024xf32, #tpu.memory_space<vmem>>, vector<16xf32>,
      %broadcast_in_dim3A_139 = arith.constant 2 : i32
      %broadcast_in_dim3A_140 = vector.broadcast %broadcast_in_dim3A_139 : i32 to vector<16xi32>
      tpu.vector_store_idx %arg10[%add3A_128, %broadcast_in_dim3A_140], %get3A_138 : memref<128x8xf32, #tpu.memory_space<vmem>>[vector<16xi32>, vector<16xi32>], vector<16xf32>,
      %get3A_141 = arith.constant 416 : index
      %get3A_142 = tpu.vector_load %arg9[%get3A_141] {strides = array<i32>} : memref<1024xf32, #tpu.memory_space<vmem>>, vector<16xf32>,
      %broadcast_in_dim3A_143 = arith.constant 3 : i32
      %broadcast_in_dim3A_144 = vector.broadcast %broadcast_in_dim3A_143 : i32 to vector<16xi32>
      tpu.vector_store_idx %arg10[%add3A_128, %broadcast_in_dim3A_144], %get3A_142 : memref<128x8xf32, #tpu.memory_space<vmem>>[vector<16xi32>, vector<16xi32>], vector<16xf32>,
      %get3A_145 = arith.constant 544 : index
      %get3A_146 = tpu.vector_load %arg9[%get3A_145] {strides = array<i32>} : memref<1024xf32, #tpu.memory_space<vmem>>, vector<16xf32>,
      %broadcast_in_dim3A_147 = arith.constant 4 : i32
      %broadcast_in_dim3A_148 = vector.broadcast %broadcast_in_dim3A_147 : i32 to vector<16xi32>
      tpu.vector_store_idx %arg10[%add3A_128, %broadcast_in_dim3A_148], %get3A_146 : memref<128x8xf32, #tpu.memory_space<vmem>>[vector<16xi32>, vector<16xi32>], vector<16xf32>,
      %get3A_149 = arith.constant 672 : index
      %get3A_150 = tpu.vector_load %arg9[%get3A_149] {strides = array<i32>} : memref<1024xf32, #tpu.memory_space<vmem>>, vector<16xf32>,
      %broadcast_in_dim3A_151 = arith.constant 5 : i32
      %broadcast_in_dim3A_152 = vector.broadcast %broadcast_in_dim3A_151 : i32 to vector<16xi32>
      tpu.vector_store_idx %arg10[%add3A_128, %broadcast_in_dim3A_152], %get3A_150 : memref<128x8xf32, #tpu.memory_space<vmem>>[vector<16xi32>, vector<16xi32>], vector<16xf32>,
      %get3A_153 = arith.constant 800 : index
      %get3A_154 = tpu.vector_load %arg9[%get3A_153] {strides = array<i32>} : memref<1024xf32, #tpu.memory_space<vmem>>, vector<16xf32>,
      %broadcast_in_dim3A_155 = arith.constant 6 : i32
      %broadcast_in_dim3A_156 = vector.broadcast %broadcast_in_dim3A_155 : i32 to vector<16xi32>
      tpu.vector_store_idx %arg10[%add3A_128, %broadcast_in_dim3A_156], %get3A_154 : memref<128x8xf32, #tpu.memory_space<vmem>>[vector<16xi32>, vector<16xi32>], vector<16xf32>,
      %get3A_157 = arith.constant 928 : index
      %get3A_158 = tpu.vector_load %arg9[%get3A_157] {strides = array<i32>} : memref<1024xf32, #tpu.memory_space<vmem>>, vector<16xf32>,
      %broadcast_in_dim3A_159 = arith.constant 7 : i32
      %broadcast_in_dim3A_160 = vector.broadcast %broadcast_in_dim3A_159 : i32 to vector<16xi32>
      tpu.vector_store_idx %arg10[%add3A_128, %broadcast_in_dim3A_160], %get3A_158 : memref<128x8xf32, #tpu.memory_space<vmem>>[vector<16xi32>, vector<16xi32>], vector<16xf32>,
      %add3A_161 = arith.constant 48 : i32
      %add3A_162 = vector.broadcast %add3A_161 : i32 to vector<16xi32>
      %add3A_163 = arith.addi %add3A_162, %iota3A : vector<16xi32>
      %get3A_164 = arith.constant 48 : index
      %get3A_165 = tpu.vector_load %arg9[%get3A_164] {strides = array<i32>} : memref<1024xf32, #tpu.memory_space<vmem>>, vector<16xf32>,
      %broadcast_in_dim3A_166 = arith.constant 0 : i32
      %broadcast_in_dim3A_167 = vector.broadcast %broadcast_in_dim3A_166 : i32 to vector<16xi32>
      tpu.vector_store_idx %arg10[%add3A_163, %broadcast_in_dim3A_167], %get3A_165 : memref<128x8xf32, #tpu.memory_space<vmem>>[vector<16xi32>, vector<16xi32>], vector<16xf32>,
      %get3A_168 = arith.constant 176 : index
      %get3A_169 = tpu.vector_load %arg9[%get3A_168] {strides = array<i32>} : memref<1024xf32, #tpu.memory_space<vmem>>, vector<16xf32>,
      %broadcast_in_dim3A_170 = arith.constant 1 : i32
      %broadcast_in_dim3A_171 = vector.broadcast %broadcast_in_dim3A_170 : i32 to vector<16xi32>
      tpu.vector_store_idx %arg10[%add3A_163, %broadcast_in_dim3A_171], %get3A_169 : memref<128x8xf32, #tpu.memory_space<vmem>>[vector<16xi32>, vector<16xi32>], vector<16xf32>,
      %get3A_172 = arith.constant 304 : index
      %get3A_173 = tpu.vector_load %arg9[%get3A_172] {strides = array<i32>} : memref<1024xf32, #tpu.memory_space<vmem>>, vector<16xf32>,
      %broadcast_in_dim3A_174 = arith.constant 2 : i32
      %broadcast_in_dim3A_175 = vector.broadcast %broadcast_in_dim3A_174 : i32 to vector<16xi32>
      tpu.vector_store_idx %arg10[%add3A_163, %broadcast_in_dim3A_175], %get3A_173 : memref<128x8xf32, #tpu.memory_space<vmem>>[vector<16xi32>, vector<16xi32>], vector<16xf32>,
      %get3A_176 = arith.constant 432 : index
      %get3A_177 = tpu.vector_load %arg9[%get3A_176] {strides = array<i32>} : memref<1024xf32, #tpu.memory_space<vmem>>, vector<16xf32>,
      %broadcast_in_dim3A_178 = arith.constant 3 : i32
      %broadcast_in_dim3A_179 = vector.broadcast %broadcast_in_dim3A_178 : i32 to vector<16xi32>
      tpu.vector_store_idx %arg10[%add3A_163, %broadcast_in_dim3A_179], %get3A_177 : memref<128x8xf32, #tpu.memory_space<vmem>>[vector<16xi32>, vector<16xi32>], vector<16xf32>,
      %get3A_180 = arith.constant 560 : index
      %get3A_181 = tpu.vector_load %arg9[%get3A_180] {strides = array<i32>} : memref<1024xf32, #tpu.memory_space<vmem>>, vector<16xf32>,
      %broadcast_in_dim3A_182 = arith.constant 4 : i32
      %broadcast_in_dim3A_183 = vector.broadcast %broadcast_in_dim3A_182 : i32 to vector<16xi32>
      tpu.vector_store_idx %arg10[%add3A_163, %broadcast_in_dim3A_183], %get3A_181 : memref<128x8xf32, #tpu.memory_space<vmem>>[vector<16xi32>, vector<16xi32>], vector<16xf32>,
      %get3A_184 = arith.constant 688 : index
      %get3A_185 = tpu.vector_load %arg9[%get3A_184] {strides = array<i32>} : memref<1024xf32, #tpu.memory_space<vmem>>, vector<16xf32>,
      %broadcast_in_dim3A_186 = arith.constant 5 : i32
      %broadcast_in_dim3A_187 = vector.broadcast %broadcast_in_dim3A_186 : i32 to vector<16xi32>
      tpu.vector_store_idx %arg10[%add3A_163, %broadcast_in_dim3A_187], %get3A_185 : memref<128x8xf32, #tpu.memory_space<vmem>>[vector<16xi32>, vector<16xi32>], vector<16xf32>,
      %get3A_188 = arith.constant 816 : index
      %get3A_189 = tpu.vector_load %arg9[%get3A_188] {strides = array<i32>} : memref<1024xf32, #tpu.memory_space<vmem>>, vector<16xf32>,
      %broadcast_in_dim3A_190 = arith.constant 6 : i32
      %broadcast_in_dim3A_191 = vector.broadcast %broadcast_in_dim3A_190 : i32 to vector<16xi32>
      tpu.vector_store_idx %arg10[%add3A_163, %broadcast_in_dim3A_191], %get3A_189 : memref<128x8xf32, #tpu.memory_space<vmem>>[vector<16xi32>, vector<16xi32>], vector<16xf32>,
      %get3A_192 = arith.constant 944 : index
      %get3A_193 = tpu.vector_load %arg9[%get3A_192] {strides = array<i32>} : memref<1024xf32, #tpu.memory_space<vmem>>, vector<16xf32>,
      %broadcast_in_dim3A_194 = arith.constant 7 : i32
      %broadcast_in_dim3A_195 = vector.broadcast %broadcast_in_dim3A_194 : i32 to vector<16xi32>
      tpu.vector_store_idx %arg10[%add3A_163, %broadcast_in_dim3A_195], %get3A_193 : memref<128x8xf32, #tpu.memory_space<vmem>>[vector<16xi32>, vector<16xi32>], vector<16xf32>,
      %add3A_196 = arith.constant 64 : i32
      %add3A_197 = vector.broadcast %add3A_196 : i32 to vector<16xi32>
      %add3A_198 = arith.addi %add3A_197, %iota3A : vector<16xi32>
      %get3A_199 = arith.constant 64 : index
      %get3A_200 = tpu.vector_load %arg9[%get3A_199] {strides = array<i32>} : memref<1024xf32, #tpu.memory_space<vmem>>, vector<16xf32>,
      %broadcast_in_dim3A_201 = arith.constant 0 : i32
      %broadcast_in_dim3A_202 = vector.broadcast %broadcast_in_dim3A_201 : i32 to vector<16xi32>
      tpu.vector_store_idx %arg10[%add3A_198, %broadcast_in_dim3A_202], %get3A_200 : memref<128x8xf32, #tpu.memory_space<vmem>>[vector<16xi32>, vector<16xi32>], vector<16xf32>,
      %get3A_203 = arith.constant 192 : index
      %get3A_204 = tpu.vector_load %arg9[%get3A_203] {strides = array<i32>} : memref<1024xf32, #tpu.memory_space<vmem>>, vector<16xf32>,
      %broadcast_in_dim3A_205 = arith.constant 1 : i32
      %broadcast_in_dim3A_206 = vector.broadcast %broadcast_in_dim3A_205 : i32 to vector<16xi32>
      tpu.vector_store_idx %arg10[%add3A_198, %broadcast_in_dim3A_206], %get3A_204 : memref<128x8xf32, #tpu.memory_space<vmem>>[vector<16xi32>, vector<16xi32>], vector<16xf32>,
      %get3A_207 = arith.constant 320 : index
      %get3A_208 = tpu.vector_load %arg9[%get3A_207] {strides = array<i32>} : memref<1024xf32, #tpu.memory_space<vmem>>, vector<16xf32>,
      %broadcast_in_dim3A_209 = arith.constant 2 : i32
      %broadcast_in_dim3A_210 = vector.broadcast %broadcast_in_dim3A_209 : i32 to vector<16xi32>
      tpu.vector_store_idx %arg10[%add3A_198, %broadcast_in_dim3A_210], %get3A_208 : memref<128x8xf32, #tpu.memory_space<vmem>>[vector<16xi32>, vector<16xi32>], vector<16xf32>,
      %get3A_211 = arith.constant 448 : index
      %get3A_212 = tpu.vector_load %arg9[%get3A_211] {strides = array<i32>} : memref<1024xf32, #tpu.memory_space<vmem>>, vector<16xf32>,
      %broadcast_in_dim3A_213 = arith.constant 3 : i32
      %broadcast_in_dim3A_214 = vector.broadcast %broadcast_in_dim3A_213 : i32 to vector<16xi32>
      tpu.vector_store_idx %arg10[%add3A_198, %broadcast_in_dim3A_214], %get3A_212 : memref<128x8xf32, #tpu.memory_space<vmem>>[vector<16xi32>, vector<16xi32>], vector<16xf32>,
      %get3A_215 = arith.constant 576 : index
      %get3A_216 = tpu.vector_load %arg9[%get3A_215] {strides = array<i32>} : memref<1024xf32, #tpu.memory_space<vmem>>, vector<16xf32>,
      %broadcast_in_dim3A_217 = arith.constant 4 : i32
      %broadcast_in_dim3A_218 = vector.broadcast %broadcast_in_dim3A_217 : i32 to vector<16xi32>
      tpu.vector_store_idx %arg10[%add3A_198, %broadcast_in_dim3A_218], %get3A_216 : memref<128x8xf32, #tpu.memory_space<vmem>>[vector<16xi32>, vector<16xi32>], vector<16xf32>,
      %get3A_219 = arith.constant 704 : index
      %get3A_220 = tpu.vector_load %arg9[%get3A_219] {strides = array<i32>} : memref<1024xf32, #tpu.memory_space<vmem>>, vector<16xf32>,
      %broadcast_in_dim3A_221 = arith.constant 5 : i32
      %broadcast_in_dim3A_222 = vector.broadcast %broadcast_in_dim3A_221 : i32 to vector<16xi32>
      tpu.vector_store_idx %arg10[%add3A_198, %broadcast_in_dim3A_222], %get3A_220 : memref<128x8xf32, #tpu.memory_space<vmem>>[vector<16xi32>, vector<16xi32>], vector<16xf32>,
      %get3A_223 = arith.constant 832 : index
      %get3A_224 = tpu.vector_load %arg9[%get3A_223] {strides = array<i32>} : memref<1024xf32, #tpu.memory_space<vmem>>, vector<16xf32>,
      %broadcast_in_dim3A_225 = arith.constant 6 : i32
      %broadcast_in_dim3A_226 = vector.broadcast %broadcast_in_dim3A_225 : i32 to vector<16xi32>
      tpu.vector_store_idx %arg10[%add3A_198, %broadcast_in_dim3A_226], %get3A_224 : memref<128x8xf32, #tpu.memory_space<vmem>>[vector<16xi32>, vector<16xi32>], vector<16xf32>,
      %get3A_227 = arith.constant 960 : index
      %get3A_228 = tpu.vector_load %arg9[%get3A_227] {strides = array<i32>} : memref<1024xf32, #tpu.memory_space<vmem>>, vector<16xf32>,
      %broadcast_in_dim3A_229 = arith.constant 7 : i32
      %broadcast_in_dim3A_230 = vector.broadcast %broadcast_in_dim3A_229 : i32 to vector<16xi32>
      tpu.vector_store_idx %arg10[%add3A_198, %broadcast_in_dim3A_230], %get3A_228 : memref<128x8xf32, #tpu.memory_space<vmem>>[vector<16xi32>, vector<16xi32>], vector<16xf32>,
      %add3A_231 = arith.constant 80 : i32
      %add3A_232 = vector.broadcast %add3A_231 : i32 to vector<16xi32>
      %add3A_233 = arith.addi %add3A_232, %iota3A : vector<16xi32>
      %get3A_234 = arith.constant 80 : index
      %get3A_235 = tpu.vector_load %arg9[%get3A_234] {strides = array<i32>} : memref<1024xf32, #tpu.memory_space<vmem>>, vector<16xf32>,
      %broadcast_in_dim3A_236 = arith.constant 0 : i32
      %broadcast_in_dim3A_237 = vector.broadcast %broadcast_in_dim3A_236 : i32 to vector<16xi32>
      tpu.vector_store_idx %arg10[%add3A_233, %broadcast_in_dim3A_237], %get3A_235 : memref<128x8xf32, #tpu.memory_space<vmem>>[vector<16xi32>, vector<16xi32>], vector<16xf32>,
      %get3A_238 = arith.constant 208 : index
      %get3A_239 = tpu.vector_load %arg9[%get3A_238] {strides = array<i32>} : memref<1024xf32, #tpu.memory_space<vmem>>, vector<16xf32>,
      %broadcast_in_dim3A_240 = arith.constant 1 : i32
      %broadcast_in_dim3A_241 = vector.broadcast %broadcast_in_dim3A_240 : i32 to vector<16xi32>
      tpu.vector_store_idx %arg10[%add3A_233, %broadcast_in_dim3A_241], %get3A_239 : memref<128x8xf32, #tpu.memory_space<vmem>>[vector<16xi32>, vector<16xi32>], vector<16xf32>,
      %get3A_242 = arith.constant 336 : index
      %get3A_243 = tpu.vector_load %arg9[%get3A_242] {strides = array<i32>} : memref<1024xf32, #tpu.memory_space<vmem>>, vector<16xf32>,
      %broadcast_in_dim3A_244 = arith.constant 2 : i32
      %broadcast_in_dim3A_245 = vector.broadcast %broadcast_in_dim3A_244 : i32 to vector<16xi32>
      tpu.vector_store_idx %arg10[%add3A_233, %broadcast_in_dim3A_245], %get3A_243 : memref<128x8xf32, #tpu.memory_space<vmem>>[vector<16xi32>, vector<16xi32>], vector<16xf32>,
      %get3A_246 = arith.constant 464 : index
      %get3A_247 = tpu.vector_load %arg9[%get3A_246] {strides = array<i32>} : memref<1024xf32, #tpu.memory_space<vmem>>, vector<16xf32>,
      %broadcast_in_dim3A_248 = arith.constant 3 : i32
      %broadcast_in_dim3A_249 = vector.broadcast %broadcast_in_dim3A_248 : i32 to vector<16xi32>
      tpu.vector_store_idx %arg10[%add3A_233, %broadcast_in_dim3A_249], %get3A_247 : memref<128x8xf32, #tpu.memory_space<vmem>>[vector<16xi32>, vector<16xi32>], vector<16xf32>,
      %get3A_250 = arith.constant 592 : index
      %get3A_251 = tpu.vector_load %arg9[%get3A_250] {strides = array<i32>} : memref<1024xf32, #tpu.memory_space<vmem>>, vector<16xf32>,
      %broadcast_in_dim3A_252 = arith.constant 4 : i32
      %broadcast_in_dim3A_253 = vector.broadcast %broadcast_in_dim3A_252 : i32 to vector<16xi32>
      tpu.vector_store_idx %arg10[%add3A_233, %broadcast_in_dim3A_253], %get3A_251 : memref<128x8xf32, #tpu.memory_space<vmem>>[vector<16xi32>, vector<16xi32>], vector<16xf32>,
      %get3A_254 = arith.constant 720 : index
      %get3A_255 = tpu.vector_load %arg9[%get3A_254] {strides = array<i32>} : memref<1024xf32, #tpu.memory_space<vmem>>, vector<16xf32>,
      %broadcast_in_dim3A_256 = arith.constant 5 : i32
      %broadcast_in_dim3A_257 = vector.broadcast %broadcast_in_dim3A_256 : i32 to vector<16xi32>
      tpu.vector_store_idx %arg10[%add3A_233, %broadcast_in_dim3A_257], %get3A_255 : memref<128x8xf32, #tpu.memory_space<vmem>>[vector<16xi32>, vector<16xi32>], vector<16xf32>,
      %get3A_258 = arith.constant 848 : index
      %get3A_259 = tpu.vector_load %arg9[%get3A_258] {strides = array<i32>} : memref<1024xf32, #tpu.memory_space<vmem>>, vector<16xf32>,
      %broadcast_in_dim3A_260 = arith.constant 6 : i32
      %broadcast_in_dim3A_261 = vector.broadcast %broadcast_in_dim3A_260 : i32 to vector<16xi32>
      tpu.vector_store_idx %arg10[%add3A_233, %broadcast_in_dim3A_261], %get3A_259 : memref<128x8xf32, #tpu.memory_space<vmem>>[vector<16xi32>, vector<16xi32>], vector<16xf32>,
      %get3A_262 = arith.constant 976 : index
      %get3A_263 = tpu.vector_load %arg9[%get3A_262] {strides = array<i32>} : memref<1024xf32, #tpu.memory_space<vmem>>, vector<16xf32>,
      %broadcast_in_dim3A_264 = arith.constant 7 : i32
      %broadcast_in_dim3A_265 = vector.broadcast %broadcast_in_dim3A_264 : i32 to vector<16xi32>
      tpu.vector_store_idx %arg10[%add3A_233, %broadcast_in_dim3A_265], %get3A_263 : memref<128x8xf32, #tpu.memory_space<vmem>>[vector<16xi32>, vector<16xi32>], vector<16xf32>,
      %add3A_266 = arith.constant 96 : i32
      %add3A_267 = vector.broadcast %add3A_266 : i32 to vector<16xi32>
      %add3A_268 = arith.addi %add3A_267, %iota3A : vector<16xi32>
      %get3A_269 = arith.constant 96 : index
      %get3A_270 = tpu.vector_load %arg9[%get3A_269] {strides = array<i32>} : memref<1024xf32, #tpu.memory_space<vmem>>, vector<16xf32>,
      %broadcast_in_dim3A_271 = arith.constant 0 : i32
      %broadcast_in_dim3A_272 = vector.broadcast %broadcast_in_dim3A_271 : i32 to vector<16xi32>
      tpu.vector_store_idx %arg10[%add3A_268, %broadcast_in_dim3A_272], %get3A_270 : memref<128x8xf32, #tpu.memory_space<vmem>>[vector<16xi32>, vector<16xi32>], vector<16xf32>,
      %get3A_273 = arith.constant 224 : index
      %get3A_274 = tpu.vector_load %arg9[%get3A_273] {strides = array<i32>} : memref<1024xf32, #tpu.memory_space<vmem>>, vector<16xf32>,
      %broadcast_in_dim3A_275 = arith.constant 1 : i32
      %broadcast_in_dim3A_276 = vector.broadcast %broadcast_in_dim3A_275 : i32 to vector<16xi32>
      tpu.vector_store_idx %arg10[%add3A_268, %broadcast_in_dim3A_276], %get3A_274 : memref<128x8xf32, #tpu.memory_space<vmem>>[vector<16xi32>, vector<16xi32>], vector<16xf32>,
      %get3A_277 = arith.constant 352 : index
      %get3A_278 = tpu.vector_load %arg9[%get3A_277] {strides = array<i32>} : memref<1024xf32, #tpu.memory_space<vmem>>, vector<16xf32>,
      %broadcast_in_dim3A_279 = arith.constant 2 : i32
      %broadcast_in_dim3A_280 = vector.broadcast %broadcast_in_dim3A_279 : i32 to vector<16xi32>
      tpu.vector_store_idx %arg10[%add3A_268, %broadcast_in_dim3A_280], %get3A_278 : memref<128x8xf32, #tpu.memory_space<vmem>>[vector<16xi32>, vector<16xi32>], vector<16xf32>,
      %get3A_281 = arith.constant 480 : index
      %get3A_282 = tpu.vector_load %arg9[%get3A_281] {strides = array<i32>} : memref<1024xf32, #tpu.memory_space<vmem>>, vector<16xf32>,
      %broadcast_in_dim3A_283 = arith.constant 3 : i32
      %broadcast_in_dim3A_284 = vector.broadcast %broadcast_in_dim3A_283 : i32 to vector<16xi32>
      tpu.vector_store_idx %arg10[%add3A_268, %broadcast_in_dim3A_284], %get3A_282 : memref<128x8xf32, #tpu.memory_space<vmem>>[vector<16xi32>, vector<16xi32>], vector<16xf32>,
      %get3A_285 = arith.constant 608 : index
      %get3A_286 = tpu.vector_load %arg9[%get3A_285] {strides = array<i32>} : memref<1024xf32, #tpu.memory_space<vmem>>, vector<16xf32>,
      %broadcast_in_dim3A_287 = arith.constant 4 : i32
      %broadcast_in_dim3A_288 = vector.broadcast %broadcast_in_dim3A_287 : i32 to vector<16xi32>
      tpu.vector_store_idx %arg10[%add3A_268, %broadcast_in_dim3A_288], %get3A_286 : memref<128x8xf32, #tpu.memory_space<vmem>>[vector<16xi32>, vector<16xi32>], vector<16xf32>,
      %get3A_289 = arith.constant 736 : index
      %get3A_290 = tpu.vector_load %arg9[%get3A_289] {strides = array<i32>} : memref<1024xf32, #tpu.memory_space<vmem>>, vector<16xf32>,
      %broadcast_in_dim3A_291 = arith.constant 5 : i32
      %broadcast_in_dim3A_292 = vector.broadcast %broadcast_in_dim3A_291 : i32 to vector<16xi32>
      tpu.vector_store_idx %arg10[%add3A_268, %broadcast_in_dim3A_292], %get3A_290 : memref<128x8xf32, #tpu.memory_space<vmem>>[vector<16xi32>, vector<16xi32>], vector<16xf32>,
      %get3A_293 = arith.constant 864 : index
      %get3A_294 = tpu.vector_load %arg9[%get3A_293] {strides = array<i32>} : memref<1024xf32, #tpu.memory_space<vmem>>, vector<16xf32>,
      %broadcast_in_dim3A_295 = arith.constant 6 : i32
      %broadcast_in_dim3A_296 = vector.broadcast %broadcast_in_dim3A_295 : i32 to vector<16xi32>
      tpu.vector_store_idx %arg10[%add3A_268, %broadcast_in_dim3A_296], %get3A_294 : memref<128x8xf32, #tpu.memory_space<vmem>>[vector<16xi32>, vector<16xi32>], vector<16xf32>,
      %get3A_297 = arith.constant 992 : index
      %get3A_298 = tpu.vector_load %arg9[%get3A_297] {strides = array<i32>} : memref<1024xf32, #tpu.memory_space<vmem>>, vector<16xf32>,
      %broadcast_in_dim3A_299 = arith.constant 7 : i32
      %broadcast_in_dim3A_300 = vector.broadcast %broadcast_in_dim3A_299 : i32 to vector<16xi32>
      tpu.vector_store_idx %arg10[%add3A_268, %broadcast_in_dim3A_300], %get3A_298 : memref<128x8xf32, #tpu.memory_space<vmem>>[vector<16xi32>, vector<16xi32>], vector<16xf32>,
      %add3A_301 = arith.constant 112 : i32
      %add3A_302 = vector.broadcast %add3A_301 : i32 to vector<16xi32>
      %add3A_303 = arith.addi %add3A_302, %iota3A : vector<16xi32>
      %get3A_304 = arith.constant 112 : index
      %get3A_305 = tpu.vector_load %arg9[%get3A_304] {strides = array<i32>} : memref<1024xf32, #tpu.memory_space<vmem>>, vector<16xf32>,
      %broadcast_in_dim3A_306 = arith.constant 0 : i32
      %broadcast_in_dim3A_307 = vector.broadcast %broadcast_in_dim3A_306 : i32 to vector<16xi32>
      tpu.vector_store_idx %arg10[%add3A_303, %broadcast_in_dim3A_307], %get3A_305 : memref<128x8xf32, #tpu.memory_space<vmem>>[vector<16xi32>, vector<16xi32>], vector<16xf32>,
      %get3A_308 = arith.constant 240 : index
      %get3A_309 = tpu.vector_load %arg9[%get3A_308] {strides = array<i32>} : memref<1024xf32, #tpu.memory_space<vmem>>, vector<16xf32>,
      %broadcast_in_dim3A_310 = arith.constant 1 : i32
      %broadcast_in_dim3A_311 = vector.broadcast %broadcast_in_dim3A_310 : i32 to vector<16xi32>
      tpu.vector_store_idx %arg10[%add3A_303, %broadcast_in_dim3A_311], %get3A_309 : memref<128x8xf32, #tpu.memory_space<vmem>>[vector<16xi32>, vector<16xi32>], vector<16xf32>,
      %get3A_312 = arith.constant 368 : index
      %get3A_313 = tpu.vector_load %arg9[%get3A_312] {strides = array<i32>} : memref<1024xf32, #tpu.memory_space<vmem>>, vector<16xf32>,
      %broadcast_in_dim3A_314 = arith.constant 2 : i32
      %broadcast_in_dim3A_315 = vector.broadcast %broadcast_in_dim3A_314 : i32 to vector<16xi32>
      tpu.vector_store_idx %arg10[%add3A_303, %broadcast_in_dim3A_315], %get3A_313 : memref<128x8xf32, #tpu.memory_space<vmem>>[vector<16xi32>, vector<16xi32>], vector<16xf32>,
      %get3A_316 = arith.constant 496 : index
      %get3A_317 = tpu.vector_load %arg9[%get3A_316] {strides = array<i32>} : memref<1024xf32, #tpu.memory_space<vmem>>, vector<16xf32>,
      %broadcast_in_dim3A_318 = arith.constant 3 : i32
      %broadcast_in_dim3A_319 = vector.broadcast %broadcast_in_dim3A_318 : i32 to vector<16xi32>
      tpu.vector_store_idx %arg10[%add3A_303, %broadcast_in_dim3A_319], %get3A_317 : memref<128x8xf32, #tpu.memory_space<vmem>>[vector<16xi32>, vector<16xi32>], vector<16xf32>,
      %get3A_320 = arith.constant 624 : index
      %get3A_321 = tpu.vector_load %arg9[%get3A_320] {strides = array<i32>} : memref<1024xf32, #tpu.memory_space<vmem>>, vector<16xf32>,
      %broadcast_in_dim3A_322 = arith.constant 4 : i32
      %broadcast_in_dim3A_323 = vector.broadcast %broadcast_in_dim3A_322 : i32 to vector<16xi32>
      tpu.vector_store_idx %arg10[%add3A_303, %broadcast_in_dim3A_323], %get3A_321 : memref<128x8xf32, #tpu.memory_space<vmem>>[vector<16xi32>, vector<16xi32>], vector<16xf32>,
      %get3A_324 = arith.constant 752 : index
      %get3A_325 = tpu.vector_load %arg9[%get3A_324] {strides = array<i32>} : memref<1024xf32, #tpu.memory_space<vmem>>, vector<16xf32>,
      %broadcast_in_dim3A_326 = arith.constant 5 : i32
      %broadcast_in_dim3A_327 = vector.broadcast %broadcast_in_dim3A_326 : i32 to vector<16xi32>
      tpu.vector_store_idx %arg10[%add3A_303, %broadcast_in_dim3A_327], %get3A_325 : memref<128x8xf32, #tpu.memory_space<vmem>>[vector<16xi32>, vector<16xi32>], vector<16xf32>,
      %get3A_328 = arith.constant 880 : index
      %get3A_329 = tpu.vector_load %arg9[%get3A_328] {strides = array<i32>} : memref<1024xf32, #tpu.memory_space<vmem>>, vector<16xf32>,
      %broadcast_in_dim3A_330 = arith.constant 6 : i32
      %broadcast_in_dim3A_331 = vector.broadcast %broadcast_in_dim3A_330 : i32 to vector<16xi32>
      tpu.vector_store_idx %arg10[%add3A_303, %broadcast_in_dim3A_331], %get3A_329 : memref<128x8xf32, #tpu.memory_space<vmem>>[vector<16xi32>, vector<16xi32>], vector<16xf32>,
      %get3A_332 = arith.constant 1008 : index
      %get3A_333 = tpu.vector_load %arg9[%get3A_332] {strides = array<i32>} : memref<1024xf32, #tpu.memory_space<vmem>>, vector<16xf32>,
      %broadcast_in_dim3A_334 = arith.constant 7 : i32
      %broadcast_in_dim3A_335 = vector.broadcast %broadcast_in_dim3A_334 : i32 to vector<16xi32>
      tpu.vector_store_idx %arg10[%add3A_303, %broadcast_in_dim3A_335], %get3A_333 : memref<128x8xf32, #tpu.memory_space<vmem>>[vector<16xi32>, vector<16xi32>], vector<16xf32>,
      %mul3A_336 = arith.constant 128 : i32
      %mul3A_337 = arith.muli %add3A_54, %mul3A_336 : i32
      "tpu.region"() ({
        %run_scoped3A = tpu.sem_alloc : memref<!tpu.dma_semaphore, #tpu.memory_space<semaphore_mem>>
        %dma_start3A = arith.constant 0 : i32
        %dma_start3A_338 = tpu.memref_slice %arg7[%mul3A_337, %dma_start3A] : memref<524288x8xf32, #tpu.memory_space<hbm>> -> memref<128x8xf32, #tpu.memory_space<hbm>>
        %dma_start3A_339 = arith.constant 0 : i32
        %dma_start3A_340 = tpu.memref_slice %arg7[%mul3A_337, %dma_start3A_339] : memref<524288x8xf32, #tpu.memory_space<hbm>> -> memref<128x8xf32, #tpu.memory_space<hbm>>
        tpu.enqueue_dma source(%arg10 : memref<128x8xf32, #tpu.memory_space<vmem>>) target(%dma_start3A_340 : memref<128x8xf32, #tpu.memory_space<hbm>>) target_semaphore(%run_scoped3A : memref<!tpu.dma_semaphore, #tpu.memory_space<semaphore_mem>>)
        %dma_wait3A = arith.constant 0 : i32
        %dma_wait3A_341 = tpu.memref_slice %arg7[%mul3A_337, %dma_wait3A] : memref<524288x8xf32, #tpu.memory_space<hbm>> -> memref<128x8xf32, #tpu.memory_space<hbm>>
        %dma_wait3A_342 = arith.constant 0 : i32
        %dma_wait3A_343 = tpu.memref_slice %arg7[%mul3A_337, %dma_wait3A_342] : memref<524288x8xf32, #tpu.memory_space<hbm>> -> memref<128x8xf32, #tpu.memory_space<hbm>>
        tpu.wait_dma2 semaphore(%run_scoped3A : memref<!tpu.dma_semaphore, #tpu.memory_space<semaphore_mem>>) src(%arg10 : memref<128x8xf32, #tpu.memory_space<vmem>>) dst(%dma_wait3A_343 : memref<128x8xf32, #tpu.memory_space<hbm>>)
        tpu.yield
      }) : () -> ()
    }
    %scan3A_7 = arith.constant 256 : i32
    %barrier3A = arith.constant 0 : index
    tpu.barrier barrier_id(%barrier3A)
    "tpu.region"() ({
      %run_scoped3A = tpu.sem_alloc : memref<!tpu.dma_semaphore, #tpu.memory_space<semaphore_mem>>
      %dma_start3A = arith.constant 524280 : i32
      %dma_start3A_51 = arith.constant 0 : i32
      %dma_start3A_52 = tpu.memref_slice %arg7[%dma_start3A, %dma_start3A_51] : memref<524288x8xf32, #tpu.memory_space<hbm>> -> memref<8x8xf32, #tpu.memory_space<hbm>>
      %dma_start3A_53 = arith.constant 524280 : i32
      %dma_start3A_54 = arith.constant 0 : i32
      %dma_start3A_55 = tpu.memref_slice %arg7[%dma_start3A_53, %dma_start3A_54] : memref<524288x8xf32, #tpu.memory_space<hbm>> -> memref<8x8xf32, #tpu.memory_space<hbm>>
      tpu.enqueue_dma source(%dma_start3A_55 : memref<8x8xf32, #tpu.memory_space<hbm>>) target(%arg8 : memref<8x8xf32, #tpu.memory_space<vmem>>) target_semaphore(%run_scoped3A : memref<!tpu.dma_semaphore, #tpu.memory_space<semaphore_mem>>)
      %dma_wait3A = arith.constant 524280 : i32
      %dma_wait3A_56 = arith.constant 0 : i32
      %dma_wait3A_57 = tpu.memref_slice %arg7[%dma_wait3A, %dma_wait3A_56] : memref<524288x8xf32, #tpu.memory_space<hbm>> -> memref<8x8xf32, #tpu.memory_space<hbm>>
      %dma_wait3A_58 = arith.constant 524280 : i32
      %dma_wait3A_59 = arith.constant 0 : i32
      %dma_wait3A_60 = tpu.memref_slice %arg7[%dma_wait3A_58, %dma_wait3A_59] : memref<524288x8xf32, #tpu.memory_space<hbm>> -> memref<8x8xf32, #tpu.memory_space<hbm>>
      tpu.wait_dma2 semaphore(%run_scoped3A : memref<!tpu.dma_semaphore, #tpu.memory_space<semaphore_mem>>) src(%dma_wait3A_60 : memref<8x8xf32, #tpu.memory_space<hbm>>) dst(%arg8 : memref<8x8xf32, #tpu.memory_space<vmem>>)
      tpu.yield
    }) : () -> ()
    %broadcast_in_dim3A = arith.constant 7 : i32
    %broadcast_in_dim3A_8 = vector.broadcast %broadcast_in_dim3A : i32 to vector<16xi32>
    %broadcast_in_dim3A_9 = arith.constant 0 : i32
    %broadcast_in_dim3A_10 = vector.broadcast %broadcast_in_dim3A_9 : i32 to vector<16xi32>
    %gather3A = tpu.vector_load_idx %arg8[%broadcast_in_dim3A_8, %broadcast_in_dim3A_10] : memref<8x8xf32, #tpu.memory_space<vmem>>[vector<16xi32>, vector<16xi32>], vector<16xf32>,
    %broadcast_in_dim3A_11 = arith.constant 7 : i32
    %broadcast_in_dim3A_12 = vector.broadcast %broadcast_in_dim3A_11 : i32 to vector<16xi32>
    %broadcast_in_dim3A_13 = arith.constant 1 : i32
    %broadcast_in_dim3A_14 = vector.broadcast %broadcast_in_dim3A_13 : i32 to vector<16xi32>
    %gather3A_15 = tpu.vector_load_idx %arg8[%broadcast_in_dim3A_12, %broadcast_in_dim3A_14] : memref<8x8xf32, #tpu.memory_space<vmem>>[vector<16xi32>, vector<16xi32>], vector<16xf32>,
    %broadcast_in_dim3A_16 = arith.constant 7 : i32
    %broadcast_in_dim3A_17 = vector.broadcast %broadcast_in_dim3A_16 : i32 to vector<16xi32>
    %broadcast_in_dim3A_18 = arith.constant 2 : i32
    %broadcast_in_dim3A_19 = vector.broadcast %broadcast_in_dim3A_18 : i32 to vector<16xi32>
    %gather3A_20 = tpu.vector_load_idx %arg8[%broadcast_in_dim3A_17, %broadcast_in_dim3A_19] : memref<8x8xf32, #tpu.memory_space<vmem>>[vector<16xi32>, vector<16xi32>], vector<16xf32>,
    %broadcast_in_dim3A_21 = arith.constant 7 : i32
    %broadcast_in_dim3A_22 = vector.broadcast %broadcast_in_dim3A_21 : i32 to vector<16xi32>
    %broadcast_in_dim3A_23 = arith.constant 3 : i32
    %broadcast_in_dim3A_24 = vector.broadcast %broadcast_in_dim3A_23 : i32 to vector<16xi32>
    %gather3A_25 = tpu.vector_load_idx %arg8[%broadcast_in_dim3A_22, %broadcast_in_dim3A_24] : memref<8x8xf32, #tpu.memory_space<vmem>>[vector<16xi32>, vector<16xi32>], vector<16xf32>,
    %broadcast_in_dim3A_26 = arith.constant 7 : i32
    %broadcast_in_dim3A_27 = vector.broadcast %broadcast_in_dim3A_26 : i32 to vector<16xi32>
    %broadcast_in_dim3A_28 = arith.constant 4 : i32
    %broadcast_in_dim3A_29 = vector.broadcast %broadcast_in_dim3A_28 : i32 to vector<16xi32>
    %gather3A_30 = tpu.vector_load_idx %arg8[%broadcast_in_dim3A_27, %broadcast_in_dim3A_29] : memref<8x8xf32, #tpu.memory_space<vmem>>[vector<16xi32>, vector<16xi32>], vector<16xf32>,
    %broadcast_in_dim3A_31 = arith.constant 7 : i32
    %broadcast_in_dim3A_32 = vector.broadcast %broadcast_in_dim3A_31 : i32 to vector<16xi32>
    %broadcast_in_dim3A_33 = arith.constant 5 : i32
    %broadcast_in_dim3A_34 = vector.broadcast %broadcast_in_dim3A_33 : i32 to vector<16xi32>
    %gather3A_35 = tpu.vector_load_idx %arg8[%broadcast_in_dim3A_32, %broadcast_in_dim3A_34] : memref<8x8xf32, #tpu.memory_space<vmem>>[vector<16xi32>, vector<16xi32>], vector<16xf32>,
    %broadcast_in_dim3A_36 = arith.constant 7 : i32
    %broadcast_in_dim3A_37 = vector.broadcast %broadcast_in_dim3A_36 : i32 to vector<16xi32>
    %broadcast_in_dim3A_38 = arith.constant 6 : i32
    %broadcast_in_dim3A_39 = vector.broadcast %broadcast_in_dim3A_38 : i32 to vector<16xi32>
    %gather3A_40 = tpu.vector_load_idx %arg8[%broadcast_in_dim3A_37, %broadcast_in_dim3A_39] : memref<8x8xf32, #tpu.memory_space<vmem>>[vector<16xi32>, vector<16xi32>], vector<16xf32>,
    %broadcast_in_dim3A_41 = arith.constant 7 : i32
    %broadcast_in_dim3A_42 = vector.broadcast %broadcast_in_dim3A_41 : i32 to vector<16xi32>
    %broadcast_in_dim3A_43 = arith.constant 7 : i32
    %broadcast_in_dim3A_44 = vector.broadcast %broadcast_in_dim3A_43 : i32 to vector<16xi32>
    %gather3A_45 = tpu.vector_load_idx %arg8[%broadcast_in_dim3A_42, %broadcast_in_dim3A_44] : memref<8x8xf32, #tpu.memory_space<vmem>>[vector<16xi32>, vector<16xi32>], vector<16xf32>,
    %scan3A_46 = arith.constant 0 : i32
    %scan3A_47 = arith.constant 16 : i32
    %scan3A_48 = arith.addi %scan3A_46, %scan3A_47 : i32
    %scan3A_49 = arith.constant 1 : i32
    scf.for %scan3A_51 = %scan3A_46 to %scan3A_48 step %scan3A_49  : i32 {
      %mul3A_52 = arith.constant 16 : i32
      %mul3A_53 = arith.muli %scan3A_51, %mul3A_52 : i32
      %min3A_54 = arith.constant 229 : i32
      %min3A_55 = arith.minsi %mul3A_53, %min3A_54 : i32
      %add3A_56 = arith.addi %min3A_3, %min3A_55 : i32
      %mul3A_57 = arith.constant 128 : i32
      %mul3A_58 = arith.muli %add3A_56, %mul3A_57 : i32
      %min3A_59 = arith.constant 997952 : i32
      %min3A_60 = arith.minsi %mul3A_58, %min3A_59 : i32
      %sub3A = arith.subi %mul3A_58, %min3A_60 : i32
      "tpu.region"() ({
        %run_scoped3A = tpu.sem_alloc : memref<!tpu.dma_semaphore, #tpu.memory_space<semaphore_mem>>
        %dma_start3A_78 = tpu.memref_slice %arg2[%min3A_60] : memref<1000000xf32, #tpu.memory_space<hbm>> -> memref<2048xf32, #tpu.memory_space<hbm>>
        %dma_start3A_79 = tpu.memref_slice %arg2[%min3A_60] : memref<1000000xf32, #tpu.memory_space<hbm>> -> memref<2048xf32, #tpu.memory_space<hbm>>
        tpu.enqueue_dma source(%dma_start3A_79 : memref<2048xf32, #tpu.memory_space<hbm>>) target(%arg11 : memref<2048xf32, #tpu.memory_space<vmem>>) target_semaphore(%run_scoped3A : memref<!tpu.dma_semaphore, #tpu.memory_space<semaphore_mem>>)
        %dma_wait3A_80 = tpu.memref_slice %arg2[%min3A_60] : memref<1000000xf32, #tpu.memory_space<hbm>> -> memref<2048xf32, #tpu.memory_space<hbm>>
        %dma_wait3A_81 = tpu.memref_slice %arg2[%min3A_60] : memref<1000000xf32, #tpu.memory_space<hbm>> -> memref<2048xf32, #tpu.memory_space<hbm>>
        tpu.wait_dma2 semaphore(%run_scoped3A : memref<!tpu.dma_semaphore, #tpu.memory_space<semaphore_mem>>) src(%dma_wait3A_81 : memref<2048xf32, #tpu.memory_space<hbm>>) dst(%arg11 : memref<2048xf32, #tpu.memory_space<vmem>>)
        tpu.yield
      }) : () -> ()
      "tpu.region"() ({
        %run_scoped3A = tpu.sem_alloc : memref<!tpu.dma_semaphore, #tpu.memory_space<semaphore_mem>>
        %dma_start3A_78 = tpu.memref_slice %arg3[%min3A_60] : memref<1000000xf32, #tpu.memory_space<hbm>> -> memref<2048xf32, #tpu.memory_space<hbm>>
        %dma_start3A_79 = tpu.memref_slice %arg3[%min3A_60] : memref<1000000xf32, #tpu.memory_space<hbm>> -> memref<2048xf32, #tpu.memory_space<hbm>>
        tpu.enqueue_dma source(%dma_start3A_79 : memref<2048xf32, #tpu.memory_space<hbm>>) target(%arg12 : memref<2048xf32, #tpu.memory_space<vmem>>) target_semaphore(%run_scoped3A : memref<!tpu.dma_semaphore, #tpu.memory_space<semaphore_mem>>)
        %dma_wait3A_80 = tpu.memref_slice %arg3[%min3A_60] : memref<1000000xf32, #tpu.memory_space<hbm>> -> memref<2048xf32, #tpu.memory_space<hbm>>
        %dma_wait3A_81 = tpu.memref_slice %arg3[%min3A_60] : memref<1000000xf32, #tpu.memory_space<hbm>> -> memref<2048xf32, #tpu.memory_space<hbm>>
        tpu.wait_dma2 semaphore(%run_scoped3A : memref<!tpu.dma_semaphore, #tpu.memory_space<semaphore_mem>>) src(%dma_wait3A_81 : memref<2048xf32, #tpu.memory_space<hbm>>) dst(%arg12 : memref<2048xf32, #tpu.memory_space<vmem>>)
        tpu.yield
      }) : () -> ()
      "tpu.region"() ({
        %run_scoped3A = tpu.sem_alloc : memref<!tpu.dma_semaphore, #tpu.memory_space<semaphore_mem>>
        %dma_start3A_78 = tpu.memref_slice %arg4[%min3A_60] : memref<1000000xf32, #tpu.memory_space<hbm>> -> memref<2048xf32, #tpu.memory_space<hbm>>
        %dma_start3A_79 = tpu.memref_slice %arg4[%min3A_60] : memref<1000000xf32, #tpu.memory_space<hbm>> -> memref<2048xf32, #tpu.memory_space<hbm>>
        tpu.enqueue_dma source(%dma_start3A_79 : memref<2048xf32, #tpu.memory_space<hbm>>) target(%arg13 : memref<2048xf32, #tpu.memory_space<vmem>>) target_semaphore(%run_scoped3A : memref<!tpu.dma_semaphore, #tpu.memory_space<semaphore_mem>>)
        %dma_wait3A_80 = tpu.memref_slice %arg4[%min3A_60] : memref<1000000xf32, #tpu.memory_space<hbm>> -> memref<2048xf32, #tpu.memory_space<hbm>>
        %dma_wait3A_81 = tpu.memref_slice %arg4[%min3A_60] : memref<1000000xf32, #tpu.memory_space<hbm>> -> memref<2048xf32, #tpu.memory_space<hbm>>
        tpu.wait_dma2 semaphore(%run_scoped3A : memref<!tpu.dma_semaphore, #tpu.memory_space<semaphore_mem>>) src(%dma_wait3A_81 : memref<2048xf32, #tpu.memory_space<hbm>>) dst(%arg13 : memref<2048xf32, #tpu.memory_space<vmem>>)
        tpu.yield
      }) : () -> ()
      %scan3A_61 = arith.constant 0 : i32
      %scan3A_62 = arith.constant 128 : i32
      %scan3A_63 = arith.addi %scan3A_61, %scan3A_62 : i32
      %scan3A_64 = arith.constant 1 : i32
      scf.for %scan3A_78 = %scan3A_61 to %scan3A_63 step %scan3A_64  : i32 {
        %mul3A_79 = arith.constant 16 : i32
        %mul3A_80 = arith.muli %scan3A_78, %mul3A_79 : i32
        %add3A_81 = arith.addi %mul3A_80, %sub3A : i32
        %min3A_82 = arith.constant 2032 : i32
        %min3A_83 = arith.minsi %add3A_81, %min3A_82 : i32
        %get3A = arith.index_cast %min3A_83 : i32 to index
        %get3A_84 = tpu.vector_load %arg11[%get3A] {strides = array<i32>} : memref<2048xf32, #tpu.memory_space<vmem>>, vector<16xf32>,
        %get3A_85 = arith.index_cast %min3A_83 : i32 to index
        %get3A_86 = tpu.vector_load %arg12[%get3A_85] {strides = array<i32>} : memref<2048xf32, #tpu.memory_space<vmem>>, vector<16xf32>,
        %get3A_87 = arith.index_cast %min3A_83 : i32 to index
        %get3A_88 = tpu.vector_load %arg13[%get3A_87] {strides = array<i32>} : memref<2048xf32, #tpu.memory_space<vmem>>, vector<16xf32>,
        %add3A_89 = arith.constant 1.000000e+00 : f32
        %add3A_90 = vector.broadcast %add3A_89 : f32 to vector<16xf32>
        %add3A_91 = arith.addf %get3A_84, %add3A_90 : vector<16xf32>
        %mul3A_92 = arith.constant 5.000000e-01 : f32
        %mul3A_93 = vector.broadcast %mul3A_92 : f32 to vector<16xf32>
        %mul3A_94 = arith.mulf %add3A_91, %mul3A_93 : vector<16xf32>
        %mul3A_95 = arith.constant 1.280000e+02 : f32
        %mul3A_96 = vector.broadcast %mul3A_95 : f32 to vector<16xf32>
        %mul3A_97 = arith.mulf %mul3A_94, %mul3A_96 : vector<16xf32>
        %jit3A = arith.constant 0.000000e+00 : f32
        %jit3A_98 = arith.constant 1.270000e+02 : f32
        %max3A = vector.broadcast %jit3A : f32 to vector<16xf32>
        %max3A_99 = arith.maximumf %max3A, %mul3A_97 : vector<16xf32>
        %min3A_100 = vector.broadcast %jit3A_98 : f32 to vector<16xf32>
        %min3A_101 = arith.minimumf %min3A_100, %max3A_99 : vector<16xf32>
        %add3A_102 = arith.constant 1.000000e+00 : f32
        %add3A_103 = vector.broadcast %add3A_102 : f32 to vector<16xf32>
        %add3A_104 = arith.addf %get3A_86, %add3A_103 : vector<16xf32>
        %mul3A_105 = arith.constant 5.000000e-01 : f32
        %mul3A_106 = vector.broadcast %mul3A_105 : f32 to vector<16xf32>
        %mul3A_107 = arith.mulf %add3A_104, %mul3A_106 : vector<16xf32>
        %mul3A_108 = arith.constant 1.280000e+02 : f32
        %mul3A_109 = vector.broadcast %mul3A_108 : f32 to vector<16xf32>
        %mul3A_110 = arith.mulf %mul3A_107, %mul3A_109 : vector<16xf32>
        %jit3A_111 = arith.constant 0.000000e+00 : f32
        %jit3A_112 = arith.constant 1.270000e+02 : f32
        %max3A_113 = vector.broadcast %jit3A_111 : f32 to vector<16xf32>
        %max3A_114 = arith.maximumf %max3A_113, %mul3A_110 : vector<16xf32>
        %min3A_115 = vector.broadcast %jit3A_112 : f32 to vector<16xf32>
        %min3A_116 = arith.minimumf %min3A_115, %max3A_114 : vector<16xf32>
        %add3A_117 = arith.constant 1.000000e+00 : f32
        %add3A_118 = vector.broadcast %add3A_117 : f32 to vector<16xf32>
        %add3A_119 = arith.addf %get3A_88, %add3A_118 : vector<16xf32>
        %mul3A_120 = arith.constant 5.000000e-01 : f32
        %mul3A_121 = vector.broadcast %mul3A_120 : f32 to vector<16xf32>
        %mul3A_122 = arith.mulf %add3A_119, %mul3A_121 : vector<16xf32>
        %mul3A_123 = arith.constant 1.280000e+02 : f32
        %mul3A_124 = vector.broadcast %mul3A_123 : f32 to vector<16xf32>
        %mul3A_125 = arith.mulf %mul3A_122, %mul3A_124 : vector<16xf32>
        %jit3A_126 = arith.constant 0.000000e+00 : f32
        %jit3A_127 = arith.constant 1.270000e+02 : f32
        %max3A_128 = vector.broadcast %jit3A_126 : f32 to vector<16xf32>
        %max3A_129 = arith.maximumf %max3A_128, %mul3A_125 : vector<16xf32>
        %min3A_130 = vector.broadcast %jit3A_127 : f32 to vector<16xf32>
        %min3A_131 = arith.minimumf %min3A_130, %max3A_129 : vector<16xf32>
        %mul3A_132 = arith.constant 1.638400e+04 : f32
        %mul3A_133 = vector.broadcast %mul3A_132 : f32 to vector<16xf32>
        %mul3A_134 = arith.mulf %min3A_101, %mul3A_133 : vector<16xf32>
        %mul3A_135 = arith.constant 1.280000e+02 : f32
        %mul3A_136 = vector.broadcast %mul3A_135 : f32 to vector<16xf32>
        %mul3A_137 = arith.mulf %min3A_116, %mul3A_136 : vector<16xf32>
        %add3A_138 = arith.addf %mul3A_134, %mul3A_137 : vector<16xf32>
        %add3A_139 = arith.addf %add3A_138, %min3A_131 : vector<16xf32>
        %convert_element_type3A = arith.fptosi %add3A_139 : vector<16xf32> to vector<16xi32>
        %jit3A_140 = arith.constant 0 : i32
        %jit3A_141 = arith.constant 524287 : i32
        %max3A_142 = vector.broadcast %jit3A_140 : i32 to vector<16xi32>
        %max3A_143 = arith.maxsi %max3A_142, %convert_element_type3A : vector<16xi32>
        %min3A_144 = vector.broadcast %jit3A_141 : i32 to vector<16xi32>
        %min3A_145 = arith.minsi %min3A_144, %max3A_143 : vector<16xi32>
        %ge3A = arith.constant 524287 : i32
        %ge3A_146 = vector.broadcast %ge3A : i32 to vector<16xi32>
        %ge3A_147 = arith.cmpi sge, %min3A_145, %ge3A_146 : vector<16xi32>
        %jit3A_148 = arith.constant -1 : i32
        %broadcast_in_dim3A_149 = vector.broadcast %jit3A_148 : i32 to vector<16xi32>
        %select_n3A = arith.select %ge3A_147, %broadcast_in_dim3A_149, %min3A_145 : vector<16xi1>, vector<16xi32>
        %mul3A_150 = arith.constant 16 : i32
        %mul3A_151 = arith.muli %scan3A_78, %mul3A_150 : i32
        %swap3A = arith.index_cast %mul3A_151 : i32 to index
        %swap3A_152 = tpu.vector_load %arg14[%swap3A] {strides = array<i32>} : memref<2048xi32, #tpu.memory_space<vmem>>, vector<16xi32>,
        tpu.vector_store %arg14[%swap3A], %select_n3A {strides = array<i32>} : memref<2048xi32, #tpu.memory_space<vmem>>, vector<16xi32>,
        %mul3A_153 = arith.constant 16 : i32
        %mul3A_154 = arith.muli %scan3A_78, %mul3A_153 : i32
        %swap3A_155 = arith.index_cast %mul3A_154 : i32 to index
        %swap3A_156 = tpu.vector_load %arg15[%swap3A_155] {strides = array<i32>} : memref<2048xi32, #tpu.memory_space<vmem>>, vector<16xi32>,
        tpu.vector_store %arg15[%swap3A_155], %min3A_145 {strides = array<i32>} : memref<2048xi32, #tpu.memory_space<vmem>>, vector<16xi32>,
      }
      %scan3A_65 = arith.constant 128 : i32
      %dma_start3A = arith.constant 0 : i32
      %dma_start3A_66 = arith.constant 0 : i32
      %dma_start3A_67 = tpu.memref_slice %arg7[%dma_start3A, %dma_start3A_66] : memref<524288x8xf32, #tpu.memory_space<hbm>> -> memref<524288x8xf32, #tpu.memory_space<hbm>>
      %dma_start3A_68 = arith.constant -1 : i32
      tpu.enqueue_indirect_dma source(%dma_start3A_67 : memref<524288x8xf32, #tpu.memory_space<hbm>>) target(%arg16 : memref<2048x8xf32, #tpu.memory_space<vmem>>) offsets(%arg14 : memref<2048xi32, #tpu.memory_space<vmem>>) offset_filter(%dma_start3A_68) semaphore(%arg18 : memref<!tpu.dma_semaphore, #tpu.memory_space<semaphore_mem>>)
      %dma_wait3A = arith.constant 0 : i32
      %dma_wait3A_69 = arith.constant 0 : i32
      %dma_wait3A_70 = tpu.memref_slice %arg7[%dma_wait3A, %dma_wait3A_69] : memref<524288x8xf32, #tpu.memory_space<hbm>> -> memref<524288x8xf32, #tpu.memory_space<hbm>>
      tpu.wait_indirect_dma semaphore(%arg18 : memref<!tpu.dma_semaphore, #tpu.memory_space<semaphore_mem>>) src(%dma_wait3A_70 : memref<524288x8xf32, #tpu.memory_space<hbm>>) dst(%arg16 : memref<2048x8xf32, #tpu.memory_space<vmem>>)
      %scan3A_71 = arith.constant 0 : i32
      %scan3A_72 = arith.constant 128 : i32
      %scan3A_73 = arith.addi %scan3A_71, %scan3A_72 : i32
      %scan3A_74 = arith.constant 1 : i32
      scf.for %scan3A_78 = %scan3A_71 to %scan3A_73 step %scan3A_74  : i32 {
        %mul3A_79 = arith.constant 16 : i32
        %mul3A_80 = arith.muli %scan3A_78, %mul3A_79 : i32
        %get3A = arith.index_cast %mul3A_80 : i32 to index
        %get3A_81 = tpu.vector_load %arg15[%get3A] {strides = array<i32>} : memref<2048xi32, #tpu.memory_space<vmem>>, vector<16xi32>,
        %mul3A_82 = arith.constant 16 : i32
        %mul3A_83 = arith.muli %scan3A_78, %mul3A_82 : i32
        %add3A_84 = vector.broadcast %mul3A_83 : i32 to vector<16xi32>
        %add3A_85 = arith.addi %add3A_84, %iota3A : vector<16xi32>
        %ge3A = arith.constant 524287 : i32
        %ge3A_86 = vector.broadcast %ge3A : i32 to vector<16xi32>
        %ge3A_87 = arith.cmpi sge, %get3A_81, %ge3A_86 : vector<16xi32>
        %shift_right_arithmetic3A = arith.constant 3 : i32
        %shift_right_arithmetic3A_88 = arith.shrsi %scan3A_78, %shift_right_arithmetic3A : i32
        %mul3A_89 = arith.constant 1024 : i32
        %mul3A_90 = arith.muli %shift_right_arithmetic3A_88, %mul3A_89 : i32
        %and3A = arith.constant 7 : i32
        %and3A_91 = arith.andi %scan3A_78, %and3A : i32
        %mul3A_92 = arith.constant 16 : i32
        %mul3A_93 = arith.muli %and3A_91, %mul3A_92 : i32
        %add3A_94 = arith.addi %mul3A_90, %mul3A_93 : i32
        %broadcast_in_dim3A_95 = arith.constant 0 : i32
        %broadcast_in_dim3A_96 = vector.broadcast %broadcast_in_dim3A_95 : i32 to vector<16xi32>
        %gather3A_97 = tpu.vector_load_idx %arg16[%add3A_85, %broadcast_in_dim3A_96] : memref<2048x8xf32, #tpu.memory_space<vmem>>[vector<16xi32>, vector<16xi32>], vector<16xf32>,
        %select_n3A = arith.select %ge3A_87, %gather3A, %gather3A_97 : vector<16xi1>, vector<16xf32>
        %add3A_98 = arith.constant 0 : i32
        %add3A_99 = arith.addi %add3A_94, %add3A_98 : i32
        %swap3A = arith.index_cast %add3A_99 : i32 to index
        %swap3A_100 = tpu.vector_load %arg17[%swap3A] {strides = array<i32>} : memref<16384xf32, #tpu.memory_space<vmem>>, vector<16xf32>,
        tpu.vector_store %arg17[%swap3A], %select_n3A {strides = array<i32>} : memref<16384xf32, #tpu.memory_space<vmem>>, vector<16xf32>,
        %broadcast_in_dim3A_101 = arith.constant 1 : i32
        %broadcast_in_dim3A_102 = vector.broadcast %broadcast_in_dim3A_101 : i32 to vector<16xi32>
        %gather3A_103 = tpu.vector_load_idx %arg16[%add3A_85, %broadcast_in_dim3A_102] : memref<2048x8xf32, #tpu.memory_space<vmem>>[vector<16xi32>, vector<16xi32>], vector<16xf32>,
        %select_n3A_104 = arith.select %ge3A_87, %gather3A_15, %gather3A_103 : vector<16xi1>, vector<16xf32>
        %add3A_105 = arith.constant 128 : i32
        %add3A_106 = arith.addi %add3A_94, %add3A_105 : i32
        %swap3A_107 = arith.index_cast %add3A_106 : i32 to index
        %swap3A_108 = tpu.vector_load %arg17[%swap3A_107] {strides = array<i32>} : memref<16384xf32, #tpu.memory_space<vmem>>, vector<16xf32>,
        tpu.vector_store %arg17[%swap3A_107], %select_n3A_104 {strides = array<i32>} : memref<16384xf32, #tpu.memory_space<vmem>>, vector<16xf32>,
        %broadcast_in_dim3A_109 = arith.constant 2 : i32
        %broadcast_in_dim3A_110 = vector.broadcast %broadcast_in_dim3A_109 : i32 to vector<16xi32>
        %gather3A_111 = tpu.vector_load_idx %arg16[%add3A_85, %broadcast_in_dim3A_110] : memref<2048x8xf32, #tpu.memory_space<vmem>>[vector<16xi32>, vector<16xi32>], vector<16xf32>,
        %select_n3A_112 = arith.select %ge3A_87, %gather3A_20, %gather3A_111 : vector<16xi1>, vector<16xf32>
        %add3A_113 = arith.constant 256 : i32
        %add3A_114 = arith.addi %add3A_94, %add3A_113 : i32
        %swap3A_115 = arith.index_cast %add3A_114 : i32 to index
        %swap3A_116 = tpu.vector_load %arg17[%swap3A_115] {strides = array<i32>} : memref<16384xf32, #tpu.memory_space<vmem>>, vector<16xf32>,
        tpu.vector_store %arg17[%swap3A_115], %select_n3A_112 {strides = array<i32>} : memref<16384xf32, #tpu.memory_space<vmem>>, vector<16xf32>,
        %broadcast_in_dim3A_117 = arith.constant 3 : i32
        %broadcast_in_dim3A_118 = vector.broadcast %broadcast_in_dim3A_117 : i32 to vector<16xi32>
        %gather3A_119 = tpu.vector_load_idx %arg16[%add3A_85, %broadcast_in_dim3A_118] : memref<2048x8xf32, #tpu.memory_space<vmem>>[vector<16xi32>, vector<16xi32>], vector<16xf32>,
        %select_n3A_120 = arith.select %ge3A_87, %gather3A_25, %gather3A_119 : vector<16xi1>, vector<16xf32>
        %add3A_121 = arith.constant 384 : i32
        %add3A_122 = arith.addi %add3A_94, %add3A_121 : i32
        %swap3A_123 = arith.index_cast %add3A_122 : i32 to index
        %swap3A_124 = tpu.vector_load %arg17[%swap3A_123] {strides = array<i32>} : memref<16384xf32, #tpu.memory_space<vmem>>, vector<16xf32>,
        tpu.vector_store %arg17[%swap3A_123], %select_n3A_120 {strides = array<i32>} : memref<16384xf32, #tpu.memory_space<vmem>>, vector<16xf32>,
        %broadcast_in_dim3A_125 = arith.constant 4 : i32
        %broadcast_in_dim3A_126 = vector.broadcast %broadcast_in_dim3A_125 : i32 to vector<16xi32>
        %gather3A_127 = tpu.vector_load_idx %arg16[%add3A_85, %broadcast_in_dim3A_126] : memref<2048x8xf32, #tpu.memory_space<vmem>>[vector<16xi32>, vector<16xi32>], vector<16xf32>,
        %select_n3A_128 = arith.select %ge3A_87, %gather3A_30, %gather3A_127 : vector<16xi1>, vector<16xf32>
        %add3A_129 = arith.constant 512 : i32
        %add3A_130 = arith.addi %add3A_94, %add3A_129 : i32
        %swap3A_131 = arith.index_cast %add3A_130 : i32 to index
        %swap3A_132 = tpu.vector_load %arg17[%swap3A_131] {strides = array<i32>} : memref<16384xf32, #tpu.memory_space<vmem>>, vector<16xf32>,
        tpu.vector_store %arg17[%swap3A_131], %select_n3A_128 {strides = array<i32>} : memref<16384xf32, #tpu.memory_space<vmem>>, vector<16xf32>,
        %broadcast_in_dim3A_133 = arith.constant 5 : i32
        %broadcast_in_dim3A_134 = vector.broadcast %broadcast_in_dim3A_133 : i32 to vector<16xi32>
        %gather3A_135 = tpu.vector_load_idx %arg16[%add3A_85, %broadcast_in_dim3A_134] : memref<2048x8xf32, #tpu.memory_space<vmem>>[vector<16xi32>, vector<16xi32>], vector<16xf32>,
        %select_n3A_136 = arith.select %ge3A_87, %gather3A_35, %gather3A_135 : vector<16xi1>, vector<16xf32>
        %add3A_137 = arith.constant 640 : i32
        %add3A_138 = arith.addi %add3A_94, %add3A_137 : i32
        %swap3A_139 = arith.index_cast %add3A_138 : i32 to index
        %swap3A_140 = tpu.vector_load %arg17[%swap3A_139] {strides = array<i32>} : memref<16384xf32, #tpu.memory_space<vmem>>, vector<16xf32>,
        tpu.vector_store %arg17[%swap3A_139], %select_n3A_136 {strides = array<i32>} : memref<16384xf32, #tpu.memory_space<vmem>>, vector<16xf32>,
        %broadcast_in_dim3A_141 = arith.constant 6 : i32
        %broadcast_in_dim3A_142 = vector.broadcast %broadcast_in_dim3A_141 : i32 to vector<16xi32>
        %gather3A_143 = tpu.vector_load_idx %arg16[%add3A_85, %broadcast_in_dim3A_142] : memref<2048x8xf32, #tpu.memory_space<vmem>>[vector<16xi32>, vector<16xi32>], vector<16xf32>,
        %select_n3A_144 = arith.select %ge3A_87, %gather3A_40, %gather3A_143 : vector<16xi1>, vector<16xf32>
        %add3A_145 = arith.constant 768 : i32
        %add3A_146 = arith.addi %add3A_94, %add3A_145 : i32
        %swap3A_147 = arith.index_cast %add3A_146 : i32 to index
        %swap3A_148 = tpu.vector_load %arg17[%swap3A_147] {strides = array<i32>} : memref<16384xf32, #tpu.memory_space<vmem>>, vector<16xf32>,
        tpu.vector_store %arg17[%swap3A_147], %select_n3A_144 {strides = array<i32>} : memref<16384xf32, #tpu.memory_space<vmem>>, vector<16xf32>,
        %broadcast_in_dim3A_149 = arith.constant 7 : i32
        %broadcast_in_dim3A_150 = vector.broadcast %broadcast_in_dim3A_149 : i32 to vector<16xi32>
        %gather3A_151 = tpu.vector_load_idx %arg16[%add3A_85, %broadcast_in_dim3A_150] : memref<2048x8xf32, #tpu.memory_space<vmem>>[vector<16xi32>, vector<16xi32>], vector<16xf32>,
        %select_n3A_152 = arith.select %ge3A_87, %gather3A_45, %gather3A_151 : vector<16xi1>, vector<16xf32>
        %add3A_153 = arith.constant 896 : i32
        %add3A_154 = arith.addi %add3A_94, %add3A_153 : i32
        %swap3A_155 = arith.index_cast %add3A_154 : i32 to index
        %swap3A_156 = tpu.vector_load %arg17[%swap3A_155] {strides = array<i32>} : memref<16384xf32, #tpu.memory_space<vmem>>, vector<16xf32>,
        tpu.vector_store %arg17[%swap3A_155], %select_n3A_152 {strides = array<i32>} : memref<16384xf32, #tpu.memory_space<vmem>>, vector<16xf32>,
      }
      %scan3A_75 = arith.constant 128 : i32
      %mul3A_76 = arith.constant 1024 : i32
      %mul3A_77 = arith.muli %add3A_56, %mul3A_76 : i32
      "tpu.region"() ({
        %run_scoped3A = tpu.sem_alloc : memref<!tpu.dma_semaphore, #tpu.memory_space<semaphore_mem>>
        %dma_start3A_78 = tpu.memref_slice %arg6[%mul3A_77] : memref<8000512xf32, #tpu.memory_space<hbm>> -> memref<16384xf32, #tpu.memory_space<hbm>>
        %dma_start3A_79 = tpu.memref_slice %arg6[%mul3A_77] : memref<8000512xf32, #tpu.memory_space<hbm>> -> memref<16384xf32, #tpu.memory_space<hbm>>
        tpu.enqueue_dma source(%arg17 : memref<16384xf32, #tpu.memory_space<vmem>>) target(%dma_start3A_79 : memref<16384xf32, #tpu.memory_space<hbm>>) target_semaphore(%run_scoped3A : memref<!tpu.dma_semaphore, #tpu.memory_space<semaphore_mem>>)
        %dma_wait3A_80 = tpu.memref_slice %arg6[%mul3A_77] : memref<8000512xf32, #tpu.memory_space<hbm>> -> memref<16384xf32, #tpu.memory_space<hbm>>
        %dma_wait3A_81 = tpu.memref_slice %arg6[%mul3A_77] : memref<8000512xf32, #tpu.memory_space<hbm>> -> memref<16384xf32, #tpu.memory_space<hbm>>
        tpu.wait_dma2 semaphore(%run_scoped3A : memref<!tpu.dma_semaphore, #tpu.memory_space<semaphore_mem>>) src(%arg17 : memref<16384xf32, #tpu.memory_space<vmem>>) dst(%dma_wait3A_81 : memref<16384xf32, #tpu.memory_space<hbm>>)
        tpu.yield
      }) : () -> ()
    }
    %scan3A_50 = arith.constant 16 : i32
    return
  }
}

</mosaic_0001>

<sc_bundles>
// kernel: kernel.3.cloned.1.call-start
scs
__scs_entry_jumppad:
0x0: {  	(pc) =	sbr.rel $0x88, $3  }
0x1: {  	(tag) =	ssettag $0x0;
	lr =	simm.s32 $0x1  }
0x2: {  	[smem:$0x3F9F] =	sst lr;
	_ =	strace $0xD0000000  }
0x3: {  	_ = 	snop  }
0x4: {  	_ = 	snop  }
0x5: {  	_ = 	snop  }
0x6: {  	_ = 	snop  }
0x7: {  	_ = 	snop  }
__scs_overlays_trampoline_lowered:
0x8: {  	[smem:$0x3FAE] =	sst s0  }
0x9: {  	[smem:$0x3FAF] =	sst s1  }
0xa: {  	[smem:$0x3FB0] =	sst s2  }
0xb: {  	[smem:$0x3FB1] =	sst s3  }
0xc: {  	[smem:$0x3FB2] =	sst s4  }
0xd: {  	[smem:$0x3FB3] =	sst s5  }
0xe: {  	[smem:$0x3FB4] =	sst s6  }
0xf: {  	[smem:$0x3FB5] =	sst s7  }
0x10: {  	[smem:$0x3FB6] =	sst s8  }
0x11: {  	[smem:$0x3FB7] =	sst s9;
	s0 =	simm.s32 @!p0 $0x0  }
0x12: {  	s1 =	sld [smem:$0x3F9D];
	s0 =	simm.s32 @p0 $0x1  }
0x13: {  	[smem:$0x3FB8] =	sst s0;
	s0 =	simm.s32 @!p1 $0x0  }
0x14: {  	s2 =	sld [smem:$0x3F9C];
	s0 =	simm.s32 @p1 $0x1  }
0x15: {  	[smem:$0x3FB9] =	sst s0;
	s0 =	simm.s32 @!p2 $0x0  }
0x16: {  	s3 =	sld [smem:$0x3FDB];
	s0 =	simm.s32 @p2 $0x1  }
0x17: {  	s4 =	simm.s32 $0x1BF5;
	[smem:$0x3FBB] =	sst s0  }
0x18: {  	s0 =	sld [smem:$0x3F9E];
	_ =	swait.ge [sflag:s4], $0x0  }
0x19: {  	s7 =	sld [smem:$0x3F9F]  }
0x1a: {  	s8 =	sadd.s32 $0xFFFFE003, lr  }
0x1b: {  	s9 =	sadd.s32 $0xFFFFFEF7, lr;
	s5 =	simm.s32 $0xFFFFFFFF;
	p2 =	slt.u32 s8, $0xFFFFF086  }
0x1c: {  	p1 =	slt.u32 s9, $0xF7A;
	s5 =	simm.s32 @!p2 $0x0  }
0x1d: {  	s5 =	simm.s32 @p1 $0x1;
	p0 =	seq.s32 s7, s2  }
0x1e: {  	s7 =	smul.u32 @!p0 $0xF7A, s2;
	p2 =	seq.s32 @!p0 s5, $0x0  }
0x1f: {  	s9 =	smul.u32 $0xF7A, s1;
	s8 =	simm.s32 @!p0 $0x1BF5;
	p2 =	por !p2, p0  }
0x20: {  	[sflag:s8] =	ssyncset.s32 @!p0 $0xFFFFF086;
	s6 =	sadd.s32 @!p0 s3, s7;
	s7 =	simm.s32 @!p0 $0x108  }
0x21: {  	s3 =	sadd.s32 s3, s9;
	s6 =	sadd.s32 @!p0 $0x88, s6;
	s7 =	simm.s32 @p2 $0x1082  }
0x22: {  	[simem:s7], [sflag:s8] =	dma.local @!p0 [hbm:s6], $0xF7A  }
0x23: {  	s9 =	sor.u32 $0xD0000000, s2;
	s6 =	simm.s32 $0x108;
	_ =	swait.ge @!p0 [sflag:s8], $0x0  }
0x24: {  	s3 =	sadd.s32 $0x88, s3;
	s6 =	simm.s32 @!p1 $0x1082;
	[sflag:s4] =	ssyncset.s32 $0xFFFFF086  }
0x25: {  	[simem:s6], [sflag:s4] =	dma.local [hbm:s3], $0xF7A  }
0x26: {  	[smem:$0x3F9F] =	sst s1;
	(tag) =	ssettag s2;
	_ =	strace s9  }
0x27: {  	s1 =	sld [smem:$0x3FAF]  }
0x28: {  	s2 =	sld [smem:$0x3FB0]  }
0x29: {  	s4 =	sld [smem:$0x3FB2]  }
0x2a: {  	p0 =	seq.s32 s5, $0x0;
	s5 =	sld [smem:$0x3FB3]  }
0x2b: {  	s6 =	sld [smem:$0x3FB4]  }
0x2c: {  	s7 =	sld [smem:$0x3FB5]  }
0x2d: {  	s3 =	simm.s32 $0x108;
	s8 =	sld [smem:$0x3FB6]  }
0x2e: {  	s3 =	simm.s32 @!p0 $0x1082;
	s9 =	sld [smem:$0x3FB7]  }
0x2f: {  	lr =	sadd.s32 s0, s3;
	s0 =	sld [smem:$0x3FAE]  }
0x30: {  	s3 =	sld [smem:$0x3FB1]  }
0x31: {  	[smem:$0x3FBA] =	sst s10  }
0x32: {  	s10 =	sld [smem:$0x3FB8];
	_ =	sdelay $0x3  }
0x33: {  	p0 =	seq.s32 s10, $0x1;
	s10 =	sld [smem:$0x3FBA];
	_ =	sdelay $0x3  }
0x34: {  	[smem:$0x3FBA] =	sst s10  }
0x35: {  	s10 =	sld [smem:$0x3FB9];
	_ =	sdelay $0x3  }
0x36: {  	p1 =	seq.s32 s10, $0x1;
	s10 =	sld [smem:$0x3FBA];
	_ =	sdelay $0x3  }
0x37: {  	[smem:$0x3FBA] =	sst s10  }
0x38: {  	s10 =	sld [smem:$0x3FBB]  }
0x39: {  	_ = 	snop;
	(pc) =	sbr.ind lr, $3  }
0x3a: {  	_ = 	snop  }
0x3b: {  	_ = 	snop  }
0x3c: {  	p2 =	seq.s32 s10, $0x1;
	s10 =	sld [smem:$0x3FBA]  }
0x3d: {  	_ =	shalt  }
0x3e: {  	_ =	shalt  }
0x3f: {  	_ =	shalt  }
0x40: {  	_ =	shalt  }
0x41: {  	_ =	shalt  }
0x42: {  	_ =	shalt  }
0x43: {  	_ =	shalt  }
0x44: {  	_ =	shalt  }
0x45: {  	_ =	shalt  }
0x46: {  	_ =	shalt  }
0x47: {  	_ =	shalt  }
0x48: {  	_ =	shalt  }
0x49: {  	_ =	shalt  }
0x4a: {  	_ =	shalt  }
0x4b: {  	_ =	shalt  }
0x4c: {  	_ =	shalt  }
0x4d: {  	_ =	shalt  }
0x4e: {  	_ =	shalt  }
0x4f: {  	_ =	shalt  }
0x50: {  	_ =	shalt  }
0x51: {  	_ =	shalt  }
0x52: {  	_ =	shalt  }
0x53: {  	_ =	shalt  }
0x54: {  	_ =	shalt  }
0x55: {  	_ =	shalt  }
0x56: {  	_ =	shalt  }
0x57: {  	_ =	shalt  }
0x58: {  	_ =	shalt  }
0x59: {  	_ =	shalt  }
0x5a: {  	_ =	shalt  }
0x5b: {  	_ =	shalt  }
0x5c: {  	_ =	shalt  }
0x5d: {  	_ =	shalt  }
0x5e: {  	_ =	shalt  }
0x5f: {  	_ =	shalt  }
0x60: {  	_ =	shalt  }
0x61: {  	_ =	shalt  }
0x62: {  	_ =	shalt  }
0x63: {  	_ =	shalt  }
0x64: {  	_ =	shalt  }
0x65: {  	_ =	shalt  }
0x66: {  	_ =	shalt  }
0x67: {  	_ =	shalt  }
0x68: {  	_ =	shalt  }
0x69: {  	_ =	shalt  }
0x6a: {  	_ =	shalt  }
0x6b: {  	_ =	shalt  }
0x6c: {  	_ =	shalt  }
0x6d: {  	_ =	shalt  }
0x6e: {  	_ =	shalt  }
0x6f: {  	_ =	shalt  }
0x70: {  	_ =	shalt  }
0x71: {  	_ =	shalt  }
0x72: {  	_ =	shalt  }
0x73: {  	_ =	shalt  }
0x74: {  	_ =	shalt  }
0x75: {  	_ =	shalt  }
0x76: {  	_ =	shalt  }
0x77: {  	_ =	shalt  }
0x78: {  	_ =	shalt  }
0x79: {  	_ =	shalt  }
0x7a: {  	_ =	shalt  }
0x7b: {  	_ =	shalt  }
0x7c: {  	_ =	shalt  }
0x7d: {  	_ =	shalt  }
0x7e: {  	_ =	shalt  }
0x7f: {  	_ =	shalt  }
0x80: {  	_ =	shalt  }
0x81: {  	_ =	shalt  }
0x82: {  	_ =	shalt  }
0x83: {  	_ =	shalt  }
0x84: {  	_ =	shalt  }
0x85: {  	_ =	shalt  }
0x86: {  	_ =	shalt  }
0x87: {  	_ =	shalt  }
.Lfunc_end0:
.L_simem_size_0:
called_computation_lowered:
.L_overlay_start_0:
0x88: {  	s2 =	sld [smem:$0x3FD9]  }
0x89: {  	s3 =	sld [smem:$0x3FFE];
	_ =	sdelay $0x1  }
0x8a: {  	s1 =	srdreg.scid  }
0x8b: {  	s0 =	sand.u32 $0x1, s1  }
0x8c: {  	s17 =	sshll.u32 s0, $0xA;
	s2 =	sadd.s32 s3, s2  }
0x8d: {  	s2 =	sadd.s32 s2, s17  }
0x8e: {  	[smem:$0x3FC6] =	sst s2  }
0x8f: {  	_ = 	snop  }
0x90: {  	s2 =	sld [smem:$0x3FC8]  }
0x91: {  	s18 =	sld [smem:$0x3FD0];
	(tm) =	ssettm $0x1  }
0x92: {  	s4 =	sld [smem:$0x3FFB];
	_ =	sdelay $0x3  }
0x93: {  	_ =	strace s4  }
0x94: {  	s4 =	sld [smem:$0x3FFC];
	_ =	sdelay $0x3  }
0x95: {  	_ =	strace s4  }
0x96: {  	s4 =	sld [smem:$0x3FFD];
	_ =	sdelay $0x3  }
0x97: {  	_ =	strace s4  }
0x98: {  	_ =	strace $0x8FFFFFFF  }
0x99: {  	s19 =	sld [smem:$0x3FDB];
	_ =	sdelay $0x1  }
0x9a: {  	s5 =	simm.s32 $_scs_section_size  }
0x9b: {  	s6 =	simm.s32 $_size__tile_overlayer_lowered;
	s7 =	simm.s32 $_tile_overlayer_lowered  }
0x9c: {  	s22 =	simm.s32 $0x1BFF;
	s21 =	sshll.u32 s7, $0x1;
	s4 =	sadd.s32 s5, s19  }
0x9d: {  	s8 =	simm.s32 $0x0;
	s20 =	sshll.u32 s6, $0x1;
	s6 =	sadd.s32 s21, s4  }
0x9e: {  	[timem:s8], [sflag:s22] =	dma.local [hbm:s6], s20  }
0x9f: {  	_ =	swait.ge [sflag:s22], s20  }
0xa0: {  	s5 =	ssub.s32 $0x0, s20;
	[sflag:s22] =	ssyncset.done $0x0  }
0xa1: {  	[sflag:s22] =	ssyncadd.s32 s5;
	_ =	sdelay $0x1  }
0xa2: {  	s23 =	simm.s32 $0x1B8B  }
0xa3: {  	_ =	swait.ge [sflag:s23], $0x1  }
0xa4: {  	[sflag:s23] =	ssyncset.done $0x0  }
0xa5: {  	s25 =	simm.s32 $0x1B8E;
	s24 =	sld [smem:$0x3FFE];
	[sflag:s23] =	ssyncadd.s32 $0xFFFFFFFF  }
0xa6: {  	s26 =	simm.s32 $execute0_lowered;
	[smem:$0x3FD2] =	sst s25  }
0xa7: {  	s6 =	sshll.u32 s26, $0x1;
	_ =	strace $0x80000046;
	[dreg:$0x1] =	wrdreg $0xFFFFFFFF  }
0xa8: {  	s28 =	simm.s32 $_size_execute0_lowered;
	s4 =	sadd.s32 s4, s6;
	[dreg:$0x0] =	wrdreg $0x0  }
0xa9: {  	s6 =	sshll.u32 s28, $0x1;
	[dreg:$0x2] =	wrdreg s4  }
0xaa: {  	[dreg:$0x3] =	wrdreg s6  }
0xab: {  	[dreg:$0x4] =	wrdreg $0xC0  }
0xac: {  	_ =	task [dreg:s8], $0x5FFFF  }
0xad: {  	[dreg:$0x1] =	wrdreg $0xFFFFFFFF  }
0xae: {  	[dreg:$0x0] =	wrdreg $0x60  }
0xaf: {  	[dreg:$0x2] =	wrdreg s24  }
0xb0: {  	[dreg:$0x3] =	wrdreg s2  }
0xb1: {  	[dreg:$0x4] =	wrdreg s18  }
0xb2: {  	[dreg:$0x5] =	wrdreg $0x9  }
0xb3: {  	_ =	task.clear_ibuf [dreg:s8], $0x6FFFF;
	_ =	strace $0x90000046  }
0xb4: {  	s29 =	simm.s32 $0x9;
	_ =	strace $0x80000048  }
0xb5: {  	_ =	swait.ge [sflag:s29], $0x1  }
0xb6: {  	[sflag:s29] =	ssyncadd.s32 $0xFFFFFFFF  }
0xb7: {  	_ =	strace $0x90000048  }
0xb8: {  	_ =	sfence  }
0xb9: {  	s30 =	sld [smem:$0x0];
	_ =	sdelay $0x2  }
0xba: {  	s31 =	sshll.u32 s1, $0xD;
	s1 =	sshrl.u32 s1, $0x2  }
0xbb: {  	s3 =	sand.u32 $0x4000, s31;
	s1 =	sadd.s32 s1, s30  }
0xbc: {  	s0 =	sor.u32 s3, s0;
	s1 =	sshll.u32 s1, $0x11  }
0xbd: {  	s0 =	sor.u32 s1, s0  }
0xbe: {  	s0 =	sadd.s32 $0x8F2B, s0  }
0xbf: {  	[sflag:s0] =	ssyncadd.remote.s32 $0x1  }
0xc0: {  	_ =	sfence.sel $0xFFFF  }
0xc1: {  	[dreg:$0x0] =	wrdreg $0xFFFFFFFF;
	(pc) =	sbr.abs _section_cstart, $3  }
0xc2: {  	[dreg:$0x1] =	wrdreg $0xFFFFFFFF  }
0xc3: {  	_ =	task.clear_ibuf [dreg:s8], $0x2FFFF;
	_ =	strace $0x9FFFFFFF  }
0xc4: {  	(tm) =	ssettm $0x7FFFFFFF  }
0xc5: {  	_ =	shalt  }
tec
execute0_lowered:
.L_overlay_start_1:
0x0: {  	(tag) =	ssettag $0x1  }
0x1: {  	v0 =	vlaneseq.u32  }
0x2: {  	v0 =	vmul.u32 $0x8, v0;
	_ =	sdelay $0x1  }
0x3: {  	v3 =	vor.u32 $0x1, v0;
	v4 =	vor.u32 $0x2, v0;
	v5 =	vor.u32 $0x3, v0  }
0x4: {  	v6 =	vor.u32 $0x4, v0;
	v7 =	vor.u32 $0x5, v0;
	v8 =	vor.u32 $0x6, v0  }
0x5: {  	v2 =	vor.u32 $0x7, v0;
	v10 =	vor.u32 $0x80, v0;
	v11 =	vor.u32 $0x81, v0  }
0x6: {  	v12 =	vor.u32 $0x82, v0;
	v9 =	vor.u32 $0x83, v0;
	v1 =	vor.u32 $0x84, v0  }
0x7: {  	v13 =	vor.u32 $0x85, v0;
	v14 =	vor.u32 $0x86, v0;
	v15 =	vor.u32 $0x87, v0  }
0x8: {  	s0 =	rddreg [dreg:$0x0];
	v16 =	vor.u32 $0x100, v0;
	v17 =	vor.u32 $0x101, v0;
	v18 =	vor.u32 $0x102, v0  }
0x9: {  	s1 =	rddreg [dreg:$0x1];
	s4 =	simm.s32 $0x0;
	v19 =	vor.u32 $0x103, v0;
	v20 =	vor.u32 $0x104, v0;
	v21 =	vor.u32 $0x105, v0  }
0xa: {  	[smem:$0x7FF] =	sst s4;
	v22 =	vor.u32 $0x106, v0;
	v23 =	vor.u32 $0x107, v0;
	v24 =	vor.u32 $0x180, v0;
	[tilespmem:$0x1FF20] =	vst v1  }
0xb: {  	s2 =	rddreg [dreg:$0x2];
	s3 =	srdreg.scid;
	v25 =	vor.u32 $0x181, v0;
	v26 =	vor.u32 $0x182, v0;
	v27 =	vor.u32 $0x183, v0;
	_ =	strace $0x80000047;
	[tilespmem:$0x1FF30] =	vst v3  }
0xc: {  	s12 =	stileid.u32;
	s16 =	simm.s32 $0x440;
	s17 =	simm.s32 $0x840;
	v28 =	vor.u32 $0x184, v0;
	v29 =	vor.u32 $0x185, v0;
	v30 =	vor.u32 $0x186, v0;
	[tilespmem:$0x1FF40] =	vst v4  }
0xd: {  	s14 =	simm.s32 $0x40;
	s18 =	simm.s32 $0x1040;
	s19 =	simm.s32 $0x1840;
	v31 =	vor.u32 $0x187, v0;
	v32 =	vor.u32 $0x200, v0;
	v33 =	vor.u32 $0x201, v0;
	[tilespmem:$0x1FF50] =	vst v5  }
0xe: {  	s15 =	simm.s32 $0x2;
	s20 =	simm.s32 $0x800;
	s21 =	simm.s32 $0x2040;
	v34 =	vor.u32 $0x202, v0;
	v35 =	vor.u32 $0x203, v0;
	v36 =	vor.u32 $0x204, v0;
	[tilespmem:$0x1FF60] =	vst v6  }
0xf: {  	s22 =	simm.s32 $0x3040;
	s23 =	simm.s32 $0x1;
	s24 =	simm.s32 $0x7040;
	v37 =	vor.u32 $0x205, v0;
	v38 =	vor.u32 $0x206, v0;
	v39 =	vor.u32 $0x207, v0;
	[tilespmem:$0x1FF70] =	vst v7  }
0x10: {  	s26 =	simm.s32 $0x0;
	s3 =	sand.u32 $0x1, s3;
	s10 =	smul.u32 $0x1EA, s12;
	v40 =	vor.u32 $0x280, v0;
	v41 =	vor.u32 $0x281, v0;
	v42 =	vor.u32 $0x282, v0;
	[tilespmem:$0x1FF80] =	vst v8  }
0x11: {  	s5 =	sshll.u32 s12, $0x1;
	s7 =	sadd.s32 $0x5BE00, s0;
	s12 =	sshll.u32 s12, $0xF;
	v43 =	vor.u32 $0x283, v0;
	v44 =	vor.u32 $0x284, v0;
	v45 =	vor.u32 $0x285, v0;
	[tilespmem:$0x1FF90] =	vst v2  }
0x12: {  	s31 =	sadd.s32 $0xDBDF8, s0;
	s6 =	sor.u32 s3, s5;
	s9 =	ssub.s32 $0x2, s3;
	v46 =	vor.u32 $0x286, v0;
	v47 =	vor.u32 $0x287, v0;
	v48 =	vor.u32 $0x300, v0;
	[tilespmem:$0x1FFA0] =	vst v10  }
0x13: {  	s5 =	sadd.s32 $0x3D400, s0;
	s3 =	smul.u32 $0xF5, s3;
	s11 =	sshrl.u32 s9, $0x1;
	v49 =	vor.u32 $0x301, v0;
	v50 =	vor.u32 $0x302, v0;
	v51 =	vor.u32 $0x303, v0;
	[tilespmem:$0x1FFB0] =	vst v11  }
0x14: {  	s8 =	smul.u32 $0xF5, s6;
	s6 =	sadd.s32 $0x1EA00, s0;
	v52 =	vor.u32 $0x304, v0;
	v53 =	vor.u32 $0x305, v0;
	v54 =	vor.u32 $0x306, v0;
	s9 =	ssub.s32 s9, s11;
	[tilespmem:$0x1FFC0] =	vst v12  }
0x15: {  	v55 =	vor.u32 $0x307, v0;
	v56 =	vor.u32 $0x380, v0;
	v63 =	vor.u32 $0x387, v0;
	s3 =	sadd.s32 s3, s10;
	s11 =	sadd.s32 s12, s7;
	s12 =	sadd.s32 s12, s1;
	[tilespmem:$0x1FFD0] =	vst v9  }
0x16: {  	v57 =	vor.u32 $0x381, v0;
	v58 =	vor.u32 $0x382, v0;
	v61 =	vor.u32 $0x385, v0;
	s8 =	smin.u32 s8, $0x1D90;
	[dreg:$0x4] =	wrdreg s31;
	s9 =	smax.u32 s9, $0x1;
	[tilespmem:$0x1FFE0] =	vst v63  }
0x17: {  	v59 =	vor.u32 $0x383, v0;
	v60 =	vor.u32 $0x384, v0;
	v62 =	vor.u32 $0x386, v0;
	s13 =	smin.u32 s3, $0x1D90;
	s3 =	simm.s32 $0x0;
	[tilespmem:$0x1FFF0] =	vst v61;
	[dreg:$0x5] =	wrdreg s9  }
.LBB2_1:
0x18: {  	v63 =	vmovc v62;
	v61 =	vmov v60;
	v60 =	vmov v59;
	v59 =	vmov v58  }
0x19: {  	v58 =	vmovc v57;
	v57 =	vmovc v56;
	v56 =	vmov v55;
	v55 =	vmov v54;
	v54 =	vmov v53  }
0x1a: {  	v53 =	vmovc v52;
	v52 =	vmovc v51;
	v51 =	vmov v50;
	v50 =	vmov v49;
	v49 =	vmov v48  }
0x1b: {  	v48 =	vmovc v47;
	v47 =	vmovc v46;
	v46 =	vmov v45;
	v45 =	vmov v44;
	v44 =	vmov v43  }
0x1c: {  	v43 =	vmovc v42;
	v42 =	vmovc v41;
	v41 =	vmov v40;
	v40 =	vmov v39;
	v39 =	vmov v38  }
0x1d: {  	v38 =	vmovc v37;
	v37 =	vmovc v36;
	v36 =	vmov v35;
	v35 =	vmov v34;
	v34 =	vmov v33  }
0x1e: {  	v33 =	vmovc v32;
	v32 =	vmovc v31;
	v31 =	vmov v30;
	v30 =	vmov v29;
	v29 =	vmov v28  }
0x1f: {  	v28 =	vmovc v27;
	v27 =	vmovc v26;
	v26 =	vmov v25;
	v25 =	vmov v24;
	v24 =	vmov v23  }
0x20: {  	v23 =	vmovc v22;
	v22 =	vmovc v21;
	v21 =	vmov v20;
	v20 =	vmov v19;
	v19 =	vmov v18  }
0x21: {  	[dreg:$0x6] =	wrdreg s3;
	s1 =	simm.s32 $0x0;
	v18 =	vmovc v17;
	v17 =	vmovc v16;
	v16 =	vmov v15;
	v15 =	vmov v14;
	v14 =	vmov v13;
	v13 =	vld [tilespmem:$0x1FF20]  }
.LBB2_2:
0x22: {  	s3 =	sadd.s32 s1, s12  }
0x23: {  	[tilespmem:s14], [sflag:$0x2] =	stream.linear.gather [hbm4b:s3+s4], $0x400, $0x38;
	[tilespmem:$0xB040] =	vst v63  }
0x24: {  	_ =	swait.ge [sflag:s15], $0x400  }
0x25: {  	[sflag:s15] =	ssyncset.done $0x0  }
0x26: {  	[sflag:s15] =	ssyncadd.s32 $0xFFFFFC00  }
0x27: {  	v1 =	vld [tilespmem:$0x40];
	_ =	sdelay $0x4  }
0x28: {  	[tilespmem:v0+s16+$0x0] =	vst.idx.msk $0xffff, v1  }
0x29: {  	v1 =	vld [tilespmem:$0xC0];
	_ =	sdelay $0x4  }
0x2a: {  	[tilespmem:v3+s16+$0x0] =	vst.idx.msk $0xffff, v1  }
0x2b: {  	v1 =	vld [tilespmem:$0x140];
	_ =	sdelay $0x4  }
0x2c: {  	[tilespmem:v4+s16+$0x0] =	vst.idx.msk $0xffff, v1  }
0x2d: {  	v1 =	vld [tilespmem:$0x1C0];
	_ =	sdelay $0x4  }
0x2e: {  	[tilespmem:v5+s16+$0x0] =	vst.idx.msk $0xffff, v1  }
0x2f: {  	v1 =	vld [tilespmem:$0x240];
	_ =	sdelay $0x4  }
0x30: {  	[tilespmem:v6+s16+$0x0] =	vst.idx.msk $0xffff, v1  }
0x31: {  	v1 =	vld [tilespmem:$0x2C0];
	_ =	sdelay $0x4  }
0x32: {  	[tilespmem:v7+s16+$0x0] =	vst.idx.msk $0xffff, v1  }
0x33: {  	v1 =	vld [tilespmem:$0x340];
	_ =	sdelay $0x4  }
0x34: {  	[tilespmem:v8+s16+$0x0] =	vst.idx.msk $0xffff, v1  }
0x35: {  	v1 =	vld [tilespmem:$0x3C0];
	_ =	sdelay $0x4  }
0x36: {  	[tilespmem:v2+s16+$0x0] =	vst.idx.msk $0xffff, v1  }
0x37: {  	v1 =	vld [tilespmem:$0x50];
	_ =	sdelay $0x4  }
0x38: {  	[tilespmem:v10+s16+$0x0] =	vst.idx.msk $0xffff, v1  }
0x39: {  	v1 =	vld [tilespmem:$0xD0];
	_ =	sdelay $0x4  }
0x3a: {  	[tilespmem:v11+s16+$0x0] =	vst.idx.msk $0xffff, v1  }
0x3b: {  	v1 =	vld [tilespmem:$0x150];
	_ =	sdelay $0x4  }
0x3c: {  	[tilespmem:v12+s16+$0x0] =	vst.idx.msk $0xffff, v1  }
0x3d: {  	v1 =	vld [tilespmem:$0x1D0];
	_ =	sdelay $0x4  }
0x3e: {  	[tilespmem:v9+s16+$0x0] =	vst.idx.msk $0xffff, v1  }
0x3f: {  	v1 =	vld [tilespmem:$0x250];
	_ =	sdelay $0x4  }
0x40: {  	[tilespmem:v13+s16+$0x0] =	vst.idx.msk $0xffff, v1  }
0x41: {  	v1 =	vld [tilespmem:$0x2D0];
	_ =	sdelay $0x4  }
0x42: {  	[tilespmem:v14+s16+$0x0] =	vst.idx.msk $0xffff, v1  }
0x43: {  	v1 =	vld [tilespmem:$0x350];
	_ =	sdelay $0x4  }
0x44: {  	[tilespmem:v15+s16+$0x0] =	vst.idx.msk $0xffff, v1  }
0x45: {  	v1 =	vld [tilespmem:$0x3D0];
	_ =	sdelay $0x4  }
0x46: {  	[tilespmem:v16+s16+$0x0] =	vst.idx.msk $0xffff, v1  }
0x47: {  	v1 =	vld [tilespmem:$0x60];
	_ =	sdelay $0x4  }
0x48: {  	[tilespmem:v17+s16+$0x0] =	vst.idx.msk $0xffff, v1  }
0x49: {  	v1 =	vld [tilespmem:$0xE0];
	_ =	sdelay $0x4  }
0x4a: {  	[tilespmem:v18+s16+$0x0] =	vst.idx.msk $0xffff, v1  }
0x4b: {  	v1 =	vld [tilespmem:$0x160];
	_ =	sdelay $0x4  }
0x4c: {  	[tilespmem:v19+s16+$0x0] =	vst.idx.msk $0xffff, v1  }
0x4d: {  	v1 =	vld [tilespmem:$0x1E0];
	_ =	sdelay $0x4  }
0x4e: {  	[tilespmem:v20+s16+$0x0] =	vst.idx.msk $0xffff, v1  }
0x4f: {  	v1 =	vld [tilespmem:$0x260];
	_ =	sdelay $0x4  }
0x50: {  	[tilespmem:v21+s16+$0x0] =	vst.idx.msk $0xffff, v1  }
0x51: {  	v1 =	vld [tilespmem:$0x2E0];
	_ =	sdelay $0x4  }
0x52: {  	[tilespmem:v22+s16+$0x0] =	vst.idx.msk $0xffff, v1  }
0x53: {  	v1 =	vld [tilespmem:$0x360];
	_ =	sdelay $0x4  }
0x54: {  	[tilespmem:v23+s16+$0x0] =	vst.idx.msk $0xffff, v1  }
0x55: {  	v1 =	vld [tilespmem:$0x3E0];
	_ =	sdelay $0x4  }
0x56: {  	[tilespmem:v24+s16+$0x0] =	vst.idx.msk $0xffff, v1  }
0x57: {  	v1 =	vld [tilespmem:$0x70];
	_ =	sdelay $0x4  }
0x58: {  	[tilespmem:v25+s16+$0x0] =	vst.idx.msk $0xffff, v1  }
0x59: {  	v1 =	vld [tilespmem:$0xF0];
	_ =	sdelay $0x4  }
0x5a: {  	[tilespmem:v26+s16+$0x0] =	vst.idx.msk $0xffff, v1  }
0x5b: {  	v1 =	vld [tilespmem:$0x170];
	_ =	sdelay $0x4  }
0x5c: {  	[tilespmem:v27+s16+$0x0] =	vst.idx.msk $0xffff, v1  }
0x5d: {  	v1 =	vld [tilespmem:$0x1F0];
	_ =	sdelay $0x4  }
0x5e: {  	[tilespmem:v28+s16+$0x0] =	vst.idx.msk $0xffff, v1  }
0x5f: {  	v1 =	vld [tilespmem:$0x270];
	_ =	sdelay $0x4  }
0x60: {  	[tilespmem:v29+s16+$0x0] =	vst.idx.msk $0xffff, v1  }
0x61: {  	v1 =	vld [tilespmem:$0x2F0];
	_ =	sdelay $0x4  }
0x62: {  	[tilespmem:v30+s16+$0x0] =	vst.idx.msk $0xffff, v1  }
0x63: {  	v1 =	vld [tilespmem:$0x370];
	_ =	sdelay $0x4  }
0x64: {  	[tilespmem:v31+s16+$0x0] =	vst.idx.msk $0xffff, v1  }
0x65: {  	v1 =	vld [tilespmem:$0x3F0];
	_ =	sdelay $0x4  }
0x66: {  	[tilespmem:v32+s16+$0x0] =	vst.idx.msk $0xffff, v1  }
0x67: {  	v1 =	vld [tilespmem:$0x80];
	_ =	sdelay $0x4  }
0x68: {  	[tilespmem:v33+s16+$0x0] =	vst.idx.msk $0xffff, v1  }
0x69: {  	v1 =	vld [tilespmem:$0x100];
	_ =	sdelay $0x4  }
0x6a: {  	[tilespmem:v34+s16+$0x0] =	vst.idx.msk $0xffff, v1  }
0x6b: {  	v1 =	vld [tilespmem:$0x180];
	_ =	sdelay $0x4  }
0x6c: {  	[tilespmem:v35+s16+$0x0] =	vst.idx.msk $0xffff, v1  }
0x6d: {  	v1 =	vld [tilespmem:$0x200];
	_ =	sdelay $0x4  }
0x6e: {  	[tilespmem:v36+s16+$0x0] =	vst.idx.msk $0xffff, v1  }
0x6f: {  	v1 =	vld [tilespmem:$0x280];
	_ =	sdelay $0x4  }
0x70: {  	[tilespmem:v37+s16+$0x0] =	vst.idx.msk $0xffff, v1  }
0x71: {  	v1 =	vld [tilespmem:$0x300];
	_ =	sdelay $0x4  }
0x72: {  	[tilespmem:v38+s16+$0x0] =	vst.idx.msk $0xffff, v1  }
0x73: {  	v1 =	vld [tilespmem:$0x380];
	_ =	sdelay $0x4  }
0x74: {  	[tilespmem:v39+s16+$0x0] =	vst.idx.msk $0xffff, v1  }
0x75: {  	v1 =	vld [tilespmem:$0x400];
	_ =	sdelay $0x4  }
0x76: {  	[tilespmem:v40+s16+$0x0] =	vst.idx.msk $0xffff, v1  }
0x77: {  	v1 =	vld [tilespmem:$0x90];
	_ =	sdelay $0x4  }
0x78: {  	[tilespmem:v41+s16+$0x0] =	vst.idx.msk $0xffff, v1  }
0x79: {  	v1 =	vld [tilespmem:$0x110];
	_ =	sdelay $0x4  }
0x7a: {  	[tilespmem:v42+s16+$0x0] =	vst.idx.msk $0xffff, v1  }
0x7b: {  	v1 =	vld [tilespmem:$0x190];
	_ =	sdelay $0x4  }
0x7c: {  	[tilespmem:v43+s16+$0x0] =	vst.idx.msk $0xffff, v1  }
0x7d: {  	v1 =	vld [tilespmem:$0x210];
	_ =	sdelay $0x4  }
0x7e: {  	[tilespmem:v44+s16+$0x0] =	vst.idx.msk $0xffff, v1  }
0x7f: {  	v1 =	vld [tilespmem:$0x290];
	_ =	sdelay $0x4  }
0x80: {  	[tilespmem:v45+s16+$0x0] =	vst.idx.msk $0xffff, v1  }
0x81: {  	v1 =	vld [tilespmem:$0x310];
	_ =	sdelay $0x4  }
0x82: {  	[tilespmem:v46+s16+$0x0] =	vst.idx.msk $0xffff, v1  }
0x83: {  	v1 =	vld [tilespmem:$0x390];
	_ =	sdelay $0x4  }
0x84: {  	[tilespmem:v47+s16+$0x0] =	vst.idx.msk $0xffff, v1  }
0x85: {  	v1 =	vld [tilespmem:$0x410];
	_ =	sdelay $0x4  }
0x86: {  	[tilespmem:v48+s16+$0x0] =	vst.idx.msk $0xffff, v1  }
0x87: {  	v1 =	vld [tilespmem:$0xA0];
	_ =	sdelay $0x4  }
0x88: {  	[tilespmem:v49+s16+$0x0] =	vst.idx.msk $0xffff, v1  }
0x89: {  	v1 =	vld [tilespmem:$0x120];
	_ =	sdelay $0x4  }
0x8a: {  	[tilespmem:v50+s16+$0x0] =	vst.idx.msk $0xffff, v1  }
0x8b: {  	v1 =	vld [tilespmem:$0x1A0];
	_ =	sdelay $0x4  }
0x8c: {  	[tilespmem:v51+s16+$0x0] =	vst.idx.msk $0xffff, v1  }
0x8d: {  	v1 =	vld [tilespmem:$0x220];
	_ =	sdelay $0x4  }
0x8e: {  	[tilespmem:v52+s16+$0x0] =	vst.idx.msk $0xffff, v1  }
0x8f: {  	v1 =	vld [tilespmem:$0x2A0];
	_ =	sdelay $0x4  }
0x90: {  	[tilespmem:v53+s16+$0x0] =	vst.idx.msk $0xffff, v1  }
0x91: {  	v1 =	vld [tilespmem:$0x320];
	_ =	sdelay $0x4  }
0x92: {  	[tilespmem:v54+s16+$0x0] =	vst.idx.msk $0xffff, v1  }
0x93: {  	v1 =	vld [tilespmem:$0x3A0];
	_ =	sdelay $0x4  }
0x94: {  	[tilespmem:v55+s16+$0x0] =	vst.idx.msk $0xffff, v1  }
0x95: {  	v1 =	vld [tilespmem:$0x420];
	_ =	sdelay $0x4  }
0x96: {  	[tilespmem:v56+s16+$0x0] =	vst.idx.msk $0xffff, v1  }
0x97: {  	v1 =	vld [tilespmem:$0xB0];
	_ =	sdelay $0x4  }
0x98: {  	[tilespmem:v57+s16+$0x0] =	vst.idx.msk $0xffff, v1  }
0x99: {  	v1 =	vld [tilespmem:$0x130];
	_ =	sdelay $0x4  }
0x9a: {  	[tilespmem:v58+s16+$0x0] =	vst.idx.msk $0xffff, v1  }
0x9b: {  	v1 =	vld [tilespmem:$0x1B0];
	_ =	sdelay $0x4  }
0x9c: {  	[tilespmem:v59+s16+$0x0] =	vst.idx.msk $0xffff, v1  }
0x9d: {  	v1 =	vld [tilespmem:$0x230];
	_ =	sdelay $0x4  }
0x9e: {  	[tilespmem:v60+s16+$0x0] =	vst.idx.msk $0xffff, v1  }
0x9f: {  	v1 =	vld [tilespmem:$0x2B0];
	_ =	sdelay $0x2  }
0xa0: {  	v62 =	vld [tilespmem:$0x1FFF0];
	_ =	sdelay $0x1  }
0xa1: {  	[tilespmem:v61+s16+$0x0] =	vst.idx.msk $0xffff, v1  }
0xa2: {  	v1 =	vld [tilespmem:$0x330];
	_ =	sdelay $0x4  }
0xa3: {  	[tilespmem:v62+s16+$0x0] =	vst.idx.msk $0xffff, v1  }
0xa4: {  	v1 =	vld [tilespmem:$0x3B0];
	_ =	sdelay $0x2  }
0xa5: {  	v62 =	vld [tilespmem:$0x1FFE0];
	_ =	sdelay $0x1  }
0xa6: {  	[tilespmem:v63+s16+$0x0] =	vst.idx.msk $0xffff, v1  }
0xa7: {  	v1 =	vld [tilespmem:$0x430];
	_ =	sdelay $0x3  }
0xa8: {  	p0 =	sne.s32 s1, $0x7F80  }
.Ltmp0:
0xa9: {  	s31 =	sadd.s32 s1, s11;
	[tilespmem:v62+s16+$0x0] =	vst.idx.msk $0xffff, v1;
	(pc) =	sbr.rel @p0 .LBB2_2-.Ltmp0, $4  }
0xaa: {  	[hbm4b:s31+s4] =	stream.linear.scatter [tilespmem:s16], [sflag:$0x2], $0x400, $0x38;
	[tilespmem:$0xB040] =	vst v63  }
0xab: {  	_ =	swait.ge [sflag:s15], $0x400  }
0xac: {  	[sflag:s15] =	ssyncset.done $0x0  }
0xad: {  	s1 =	sadd.s32 $0x80, s1;
	[sflag:s15] =	ssyncadd.s32 $0xFFFFFC00  }
0xae: {  	[bflag:$0x0] =	sbarrier.arrive $0xFFFF  }
0xaf: {  	v1 =	vimm.s32 $0x38;
	s1 =	rddreg [dreg:$0x4]  }
0xb0: {  	v2 =	vimm.s32 $0x39;
	v3 =	vimm.s32 $0x3A;
	v4 =	vimm.s32 $0x3B;
	[tilespmem:s26], [sflag:$0x2] =	stream.linear.gather [hbm4b:s1+s26], $0x40, $0x38;
	[tilespmem:$0xB040] =	vst v63  }
0xb1: {  	v5 =	vimm.s32 $0x3C;
	v6 =	vimm.s32 $0x3D;
	v7 =	vimm.s32 $0x3E;
	_ =	swait.ge [sflag:s15], $0x40  }
0xb2: {  	v8 =	vimm.s32 $0x3F;
	v13 =	vmovc v14;
	v14 =	vmovc v15;
	v15 =	vmov v16;
	v16 =	vmov v17;
	[sflag:s15] =	ssyncset.done $0x0  }
0xb3: {  	v17 =	vmovc v18;
	v18 =	vmovc v19;
	v19 =	vmov v20;
	v20 =	vmov v21;
	v21 =	vmov v22;
	[sflag:s15] =	ssyncadd.s32 $0xFFFFFFC0  }
0xb4: {  	v22 =	vmovc v23;
	v23 =	vmovc v24;
	v24 =	vmov v25;
	v25 =	vmov v26;
	v26 =	vmov v27;
	v1 =	vld.idx.msk [tilespmem:v1+s26+$0x0], $0xffff  }
0xb5: {  	v27 =	vmovc v28;
	v28 =	vmovc v29;
	v29 =	vmov v30;
	v30 =	vmov v31;
	v31 =	vmov v32;
	v2 =	vld.idx.msk [tilespmem:v2+s26+$0x0], $0xffff  }
0xb6: {  	v32 =	vmovc v33;
	v33 =	vmovc v34;
	v34 =	vmov v35;
	v35 =	vmov v36;
	v36 =	vmov v37;
	v3 =	vld.idx.msk [tilespmem:v3+s26+$0x0], $0xffff  }
0xb7: {  	v37 =	vmovc v38;
	v38 =	vmovc v39;
	v39 =	vmov v40;
	v40 =	vmov v41;
	v41 =	vmov v42;
	v4 =	vld.idx.msk [tilespmem:v4+s26+$0x0], $0xffff  }
0xb8: {  	v42 =	vmovc v43;
	v43 =	vmovc v44;
	v44 =	vmov v45;
	v45 =	vmov v46;
	v46 =	vmov v47;
	v5 =	vld.idx.msk [tilespmem:v5+s26+$0x0], $0xffff  }
0xb9: {  	v47 =	vmovc v48;
	v48 =	vmovc v49;
	v49 =	vmov v50;
	v50 =	vmov v51;
	v51 =	vmov v52;
	v6 =	vld.idx.msk [tilespmem:v6+s26+$0x0], $0xffff  }
0xba: {  	v52 =	vmovc v53;
	v53 =	vmovc v54;
	v54 =	vmov v55;
	v55 =	vmov v56;
	v56 =	vmov v57;
	v8 =	vld.idx.msk [tilespmem:v8+s26+$0x0], $0xffff  }
0xbb: {  	s28 =	simm.s32 $0x0;
	s29 =	simm.s32 $0x0;
	v57 =	vmovc v58;
	v58 =	vmovc v59;
	v59 =	vmov v60;
	v60 =	vmov v61;
	v62 =	vmov v63;
	v7 =	vld.idx.msk [tilespmem:v7+s26+$0x0], $0xffff  }
.LBB2_4:
0xbc: {  	s1 =	sshll.u32 s29, $0x4  }
0xbd: {  	s1 =	smin.u32 s1, $0xE5  }
0xbe: {  	s1 =	sadd.s32 s8, s1  }
0xbf: {  	s30 =	sshll.u32 s1, $0x7  }
0xc0: {  	s1 =	smin.u32 s30, $0xF3A40  }
0xc1: {  	s1 =	sshrl.u32 s1, $0x3  }
0xc2: {  	s3 =	sadd.s32 s5, s1  }
0xc3: {  	[tilespmem:s17], [sflag:$0x2] =	stream.linear.gather [hbm4b:s3+s26], $0x800, $0x38;
	[tilespmem:$0xB040] =	vst v63  }
0xc4: {  	_ =	swait.ge [sflag:s15], $0x800  }
0xc5: {  	[sflag:s15] =	ssyncset.done $0x0  }
0xc6: {  	s25 =	smin.u32 s28, $0xE5;
	s10 =	sadd.s32 s6, s1;
	[sflag:s15] =	ssyncadd.s32 $0xFFFFF800  }
0xc7: {  	[tilespmem:s18], [sflag:$0x2] =	stream.linear.gather [hbm4b:s10+s26], $0x800, $0x38;
	[tilespmem:$0xB040] =	vst v63  }
0xc8: {  	s3 =	sadd.s32 s25, s13;
	_ =	swait.ge [sflag:s15], $0x800  }
0xc9: {  	s3 =	sshll.u32 s3, $0x7;
	[sflag:s15] =	ssyncset.done $0x0  }
0xca: {  	s1 =	sadd.s32 s0, s1;
	s31 =	smax.u32 s3, $0xF3A40;
	[sflag:s15] =	ssyncadd.s32 $0xFFFFF800  }
0xcb: {  	[tilespmem:s19], [sflag:$0x2] =	stream.linear.gather [hbm4b:s1+s26], $0x800, $0x38;
	[tilespmem:$0xB040] =	vst v63  }
0xcc: {  	s9 =	simm.s32 $0x40;
	s3 =	sadd.s32 $0xFFF0C5C0, s31;
	_ =	swait.ge [sflag:s15], $0x800  }
0xcd: {  	p0 =	slt.s32 s3, $0x7F0;
	s10 =	smov.u32 s3;
	[sflag:s15] =	ssyncset.done $0x0  }
0xce: {  	s10 =	simm.s32 @!p0 $0x7F0;
	s1 =	simm.s32 $0x0;
	[sflag:s15] =	ssyncadd.s32 $0xFFFFF800  }
.LBB2_5:
0xcf: {  	p0 =	sne.s32 s9, $0x1FC0;
	v9 =	vld [tilespmem:s10+$0x840]  }
0xd0: {  	v10 =	vld [tilespmem:s10+$0x1040]  }
0xd1: {  	v11 =	vld [tilespmem:s10+$0x1840];
	_ =	sdelay $0x3  }
0xd2: {  	v9 =	vadd.f32 $1.000000000e+00, v9;
	v10 =	vadd.f32 $1.000000000e+00, v10;
	_ =	sdelay $0x1  }
0xd3: {  	v9 =	vmul.f32 $5.000000000e-01, v9;
	v10 =	vmul.f32 $5.000000000e-01, v10  }
0xd4: {  	v11 =	vadd.f32 $1.000000000e+00, v11  }
0xd5: {  	v9 =	vmul.f32 $1.280000000e+02, v9;
	v10 =	vmul.f32 $1.280000000e+02, v10  }
0xd6: {  	v11 =	vmul.f32 $5.000000000e-01, v11  }
0xd7: {  	v9 =	vmax.f32 v9, $0.0e+00;
	v10 =	vmax.f32 v10, $0.0e+00  }
0xd8: {  	v11 =	vmul.f32 $1.280000000e+02, v11;
	v9 =	vmin.f32 v9, $1.270000000e+02;
	v10 =	vmin.f32 v10, $1.270000000e+02  }
0xd9: {  	v9 =	vmul.f32 $1.638400000e+04, v9;
	v10 =	vmul.f32 $1.280000000e+02, v10;
	_ =	sdelay $0x1  }
0xda: {  	v11 =	vmax.f32 v11, $0.0e+00;
	v9 =	vadd.f32 v10, v9  }
0xdb: {  	v10 =	vmin.f32 v11, $1.270000000e+02  }
0xdc: {  	v9 =	vadd.f32 v9, v10;
	_ =	sdelay $0x1  }
0xdd: {  	v9 =	vtrunc.f32 v9  }
0xde: {  	v9 =	vcvt.f32.s32 v9;
	_ =	sdelay $0x1  }
.Ltmp1:
0xdf: {  	vm0 =	vgt.s32 v9, $0x0;
	(pc) =	sbr.rel @p0 .LBB2_5-.Ltmp1, $4  }
0xe0: {  	v10 =	vnsel vm0, $0x0, v9  }
0xe1: {  	s31 =	sshra.s32 s1, $0x2;
	s3 =	sadd.s32 $0x10, s3;
	s1 =	smov.u32 s9;
	vm0 =	vgt.s32 v9, $0x7FFFE;
	v10 =	vmin.u32 v10, $0x7FFFF  }
0xe2: {  	p1 =	slt.s32 s3, $0x7F0;
	s10 =	smov.u32 s3;
	v9 =	vsel vm0, $0xFFFFFFFF, v10;
	[tilespmem:s31+$0x2840] =	vst v10  }
0xe3: {  	s9 =	sadd.s32 $0x40, s9;
	s10 =	simm.s32 @!p1 $0x7F0;
	[tilespmem:s31+$0x2040] =	vst v9  }
0xe4: {  	v9 =	vld [tilespmem:s10+$0x840]  }
0xe5: {  	v10 =	vld [tilespmem:s10+$0x1040];
	_ =	sdelay $0x2  }
0xe6: {  	v11 =	vld [tilespmem:s10+$0x1840];
	_ =	sdelay $0x1  }
0xe7: {  	v9 =	vadd.f32 $1.000000000e+00, v9;
	v10 =	vadd.f32 $1.000000000e+00, v10;
	_ =	sdelay $0x1  }
0xe8: {  	v9 =	vmul.f32 $5.000000000e-01, v9;
	v10 =	vmul.f32 $5.000000000e-01, v10  }
0xe9: {  	v11 =	vadd.f32 $1.000000000e+00, v11  }
0xea: {  	v9 =	vmul.f32 $1.280000000e+02, v9;
	v10 =	vmul.f32 $1.280000000e+02, v10  }
0xeb: {  	v11 =	vmul.f32 $5.000000000e-01, v11  }
0xec: {  	v9 =	vmax.f32 v9, $0.0e+00;
	v10 =	vmax.f32 v10, $0.0e+00  }
0xed: {  	v11 =	vmul.f32 $1.280000000e+02, v11;
	v9 =	vmin.f32 v9, $1.270000000e+02;
	v10 =	vmin.f32 v10, $1.270000000e+02  }
0xee: {  	v9 =	vmul.f32 $1.638400000e+04, v9;
	v10 =	vmul.f32 $1.280000000e+02, v10;
	_ =	sdelay $0x1  }
0xef: {  	v11 =	vmax.f32 v11, $0.0e+00;
	v9 =	vadd.f32 v10, v9  }
0xf0: {  	v10 =	vmin.f32 v11, $1.270000000e+02  }
0xf1: {  	v9 =	vadd.f32 v9, v10;
	_ =	sdelay $0x1  }
0xf2: {  	v9 =	vtrunc.f32 v9  }
0xf3: {  	v9 =	vcvt.f32.s32 v9;
	_ =	sdelay $0x1  }
0xf4: {  	vm0 =	vgt.s32 v9, $0x0  }
0xf5: {  	v10 =	vnsel vm0, $0x0, v9  }
0xf6: {  	s1 =	sshra.s32 s1, $0x2;
	vm0 =	vgt.s32 v9, $0x7FFFE;
	v10 =	vmin.u32 v10, $0x7FFFF  }
0xf7: {  	s31 =	simm.s32 $0x0;
	v9 =	vsel vm0, $0xFFFFFFFF, v10;
	[tilespmem:s1+$0x2840] =	vst v10  }
0xf8: {  	[tilespmem:s1+$0x2040] =	vst v9;
	(ifvalue) =	ssetifvalue $0xFFFFFFFF;
	v9 =	vmov s31  }
0xf9: {  	(ifvalue) =	ssetifvalue $0xFFFFFFFF;
	v9 =	vshll.u32 v9, $0x3  }
0xfa: {  	[tilespmem:s22], [sflag:$0x1] =	stream.indirect.gather [hbm4b:s7+s20], $0x8, s21, s20, $0x40b8;
	v9 =	vor.u32 v0, v9;
	[tilespmem:$0xB040] =	vst v63  }
0xfb: {  	_ =	swait.ge [sflag:s23], $0x4000  }
0xfc: {  	[sflag:s23] =	ssyncset.done $0x0  }
0xfd: {  	s1 =	simm.s32 $0x2840;
	[sflag:s23] =	ssyncadd.s32 $0xFFFFC000  }
0xfe: {  	v10 =	vld [tilespmem:s1+$0x0]  }
0xff: {  	v11 =	vld.idx.msk [tilespmem:v9+s22+$0x0], $0xffff;
	_ =	sdelay $0x1  }
0x100: {  	v12 =	vor.u32 $0x1, v9;
	_ =	sdelay $0x1  }
0x101: {  	s3 =	sand.u32 $0x3C00, s31;
	s9 =	sand.u32 $0x70, s31;
	vm0 =	vgt.s32 v10, $0x7FFFE  }
0x102: {  	s9 =	sor.u32 s9, s3;
	v10 =	vsel vm0, v1, v11  }
0x103: {  	[tilespmem:s9+$0x7040] =	vst v10  }
0x104: {  	v10 =	vld.idx.msk [tilespmem:v12+s22+$0x0], $0xffff;
	_ =	sdelay $0x1  }
0x105: {  	v11 =	vor.u32 $0x2, v9;
	_ =	sdelay $0x2  }
0x106: {  	v10 =	vsel vm0, v2, v10  }
0x107: {  	[tilespmem:s9+$0x70C0] =	vst v10  }
0x108: {  	v10 =	vld.idx.msk [tilespmem:v11+s22+$0x0], $0xffff;
	_ =	sdelay $0x1  }
0x109: {  	v11 =	vor.u32 $0x3, v9;
	_ =	sdelay $0x2  }
0x10a: {  	v10 =	vsel vm0, v3, v10  }
0x10b: {  	[tilespmem:s9+$0x7140] =	vst v10  }
0x10c: {  	v10 =	vld.idx.msk [tilespmem:v11+s22+$0x0], $0xffff;
	_ =	sdelay $0x1  }
0x10d: {  	v11 =	vor.u32 $0x4, v9;
	_ =	sdelay $0x2  }
0x10e: {  	v10 =	vsel vm0, v4, v10  }
0x10f: {  	[tilespmem:s9+$0x71C0] =	vst v10  }
0x110: {  	v10 =	vld.idx.msk [tilespmem:v11+s22+$0x0], $0xffff;
	_ =	sdelay $0x1  }
0x111: {  	v11 =	vor.u32 $0x5, v9;
	_ =	sdelay $0x2  }
0x112: {  	v10 =	vsel vm0, v5, v10  }
0x113: {  	[tilespmem:s9+$0x7240] =	vst v10  }
0x114: {  	v10 =	vld.idx.msk [tilespmem:v11+s22+$0x0], $0xffff;
	_ =	sdelay $0x1  }
0x115: {  	v11 =	vor.u32 $0x6, v9;
	_ =	sdelay $0x2  }
0x116: {  	v10 =	vsel vm0, v6, v10  }
0x117: {  	[tilespmem:s9+$0x72C0] =	vst v10  }
0x118: {  	v10 =	vld.idx.msk [tilespmem:v11+s22+$0x0], $0xffff;
	_ =	sdelay $0x1  }
0x119: {  	v9 =	vor.u32 $0x7, v9;
	_ =	sdelay $0x2  }
0x11a: {  	v10 =	vsel vm0, v7, v10  }
0x11b: {  	[tilespmem:s9+$0x7340] =	vst v10  }
0x11c: {  	s3 =	simm.s32 $0x10;
	v9 =	vld.idx.msk [tilespmem:v9+s22+$0x0], $0xffff  }
0x11d: {  	s10 =	simm.s32 $0x20;
	v10 =	vmov s3  }
.LBB2_7:
0x11e: {  	p0 =	sne.s32 s10, $0x7F0;
	v10 =	vshll.u32 v10, $0x3  }
0x11f: {  	v10 =	vor.u32 v0, v10;
	_ =	sdelay $0x1  }
0x120: {  	v9 =	vsel vm0, v8, v9  }
0x121: {  	s1 =	sadd.s32 $0x10, s1;
	[tilespmem:s9+$0x73C0] =	vst v9  }
0x122: {  	v9 =	vld [tilespmem:s1+$0x0]  }
0x123: {  	v11 =	vld.idx.msk [tilespmem:v10+s22+$0x0], $0xffff;
	_ =	sdelay $0x2  }
0x124: {  	v12 =	vor.u32 $0x1, v10  }
0x125: {  	s31 =	sadd.s32 $0x80, s31  }
0x126: {  	s25 =	sand.u32 $0x70, s3;
	s3 =	smov.u32 s10;
	s9 =	sand.u32 $0x3C00, s31;
	vm0 =	vgt.s32 v9, $0x7FFFE  }
0x127: {  	s9 =	sor.u32 s25, s9;
	v9 =	vsel vm0, v1, v11  }
0x128: {  	[tilespmem:s9+$0x7040] =	vst v9  }
0x129: {  	v9 =	vld.idx.msk [tilespmem:v12+s22+$0x0], $0xffff;
	_ =	sdelay $0x2  }
0x12a: {  	v11 =	vor.u32 $0x2, v10;
	_ =	sdelay $0x2  }
0x12b: {  	v9 =	vsel vm0, v2, v9  }
0x12c: {  	[tilespmem:s9+$0x70C0] =	vst v9  }
0x12d: {  	v9 =	vld.idx.msk [tilespmem:v11+s22+$0x0], $0xffff;
	_ =	sdelay $0x2  }
0x12e: {  	v11 =	vor.u32 $0x3, v10;
	_ =	sdelay $0x2  }
0x12f: {  	v9 =	vsel vm0, v3, v9  }
0x130: {  	[tilespmem:s9+$0x7140] =	vst v9  }
0x131: {  	v9 =	vld.idx.msk [tilespmem:v11+s22+$0x0], $0xffff;
	_ =	sdelay $0x2  }
0x132: {  	v11 =	vor.u32 $0x4, v10;
	_ =	sdelay $0x2  }
0x133: {  	v9 =	vsel vm0, v4, v9  }
0x134: {  	[tilespmem:s9+$0x71C0] =	vst v9  }
0x135: {  	v9 =	vld.idx.msk [tilespmem:v11+s22+$0x0], $0xffff;
	_ =	sdelay $0x2  }
0x136: {  	v11 =	vor.u32 $0x5, v10;
	_ =	sdelay $0x2  }
0x137: {  	v9 =	vsel vm0, v5, v9  }
0x138: {  	[tilespmem:s9+$0x7240] =	vst v9  }
0x139: {  	v9 =	vld.idx.msk [tilespmem:v11+s22+$0x0], $0xffff;
	_ =	sdelay $0x2  }
0x13a: {  	v11 =	vor.u32 $0x6, v10;
	_ =	sdelay $0x2  }
0x13b: {  	v9 =	vsel vm0, v6, v9  }
0x13c: {  	[tilespmem:s9+$0x72C0] =	vst v9  }
0x13d: {  	v9 =	vld.idx.msk [tilespmem:v11+s22+$0x0], $0xffff;
	_ =	sdelay $0x2  }
0x13e: {  	v10 =	vor.u32 $0x7, v10;
	_ =	sdelay $0x2  }
.Ltmp2:
0x13f: {  	v9 =	vsel vm0, v7, v9;
	(pc) =	sbr.rel @p0 .LBB2_7-.Ltmp2, $3  }
0x140: {  	[tilespmem:s9+$0x7340] =	vst v9  }
0x141: {  	v9 =	vld.idx.msk [tilespmem:v10+s22+$0x0], $0xffff;
	_ =	sdelay $0x1  }
0x142: {  	s10 =	sadd.s32 $0x10, s10;
	v10 =	vmov s3  }
0x143: {  	v10 =	vshll.u32 v10, $0x3  }
0x144: {  	v10 =	vor.u32 v0, v10;
	_ =	sdelay $0x1  }
0x145: {  	v9 =	vsel vm0, v8, v9  }
0x146: {  	s1 =	sadd.s32 $0x10, s1;
	[tilespmem:s9+$0x73C0] =	vst v9  }
0x147: {  	v9 =	vld [tilespmem:s1+$0x0]  }
0x148: {  	v11 =	vld.idx.msk [tilespmem:v10+s22+$0x0], $0xffff;
	_ =	sdelay $0x1  }
0x149: {  	v12 =	vor.u32 $0x1, v10  }
0x14a: {  	s25 =	sadd.s32 $0x80, s31  }
0x14b: {  	s3 =	sand.u32 $0x70, s3;
	s1 =	sand.u32 $0x3C00, s25;
	vm15 =	vgt.s32 v9, $0x7FFFE  }
0x14c: {  	s1 =	sor.u32 s3, s1;
	v9 =	vsel vm15, v1, v11  }
0x14d: {  	[tilespmem:s1+$0x7040] =	vst v9  }
0x14e: {  	v9 =	vld.idx.msk [tilespmem:v12+s22+$0x0], $0xffff;
	_ =	sdelay $0x1  }
0x14f: {  	v11 =	vor.u32 $0x2, v10;
	_ =	sdelay $0x2  }
0x150: {  	v9 =	vsel vm15, v2, v9  }
0x151: {  	[tilespmem:s1+$0x70C0] =	vst v9  }
0x152: {  	v9 =	vld.idx.msk [tilespmem:v11+s22+$0x0], $0xffff;
	_ =	sdelay $0x1  }
0x153: {  	v11 =	vor.u32 $0x3, v10;
	_ =	sdelay $0x2  }
0x154: {  	v9 =	vsel vm15, v3, v9  }
0x155: {  	[tilespmem:s1+$0x7140] =	vst v9  }
0x156: {  	v9 =	vld.idx.msk [tilespmem:v11+s22+$0x0], $0xffff;
	_ =	sdelay $0x1  }
0x157: {  	v11 =	vor.u32 $0x4, v10;
	_ =	sdelay $0x2  }
0x158: {  	v9 =	vsel vm15, v4, v9  }
0x159: {  	[tilespmem:s1+$0x71C0] =	vst v9  }
0x15a: {  	v9 =	vld.idx.msk [tilespmem:v11+s22+$0x0], $0xffff;
	_ =	sdelay $0x1  }
0x15b: {  	v11 =	vor.u32 $0x5, v10;
	_ =	sdelay $0x2  }
0x15c: {  	v9 =	vsel vm15, v5, v9  }
0x15d: {  	[tilespmem:s1+$0x7240] =	vst v9  }
0x15e: {  	v9 =	vld.idx.msk [tilespmem:v11+s22+$0x0], $0xffff;
	_ =	sdelay $0x1  }
0x15f: {  	v11 =	vor.u32 $0x6, v10;
	_ =	sdelay $0x2  }
0x160: {  	v9 =	vsel vm15, v6, v9  }
0x161: {  	[tilespmem:s1+$0x72C0] =	vst v9  }
0x162: {  	v9 =	vld.idx.msk [tilespmem:v11+s22+$0x0], $0xffff;
	_ =	sdelay $0x1  }
0x163: {  	v10 =	vor.u32 $0x7, v10;
	_ =	sdelay $0x2  }
0x164: {  	v9 =	vsel vm15, v7, v9  }
0x165: {  	[tilespmem:s1+$0x7340] =	vst v9  }
0x166: {  	v9 =	vld.idx.msk [tilespmem:v10+s22+$0x0], $0xffff;
	_ =	sdelay $0x3  }
0x167: {  	s29 =	sadd.s32 $0x1, s29  }
0x168: {  	p0 =	sne.s32 s29, $0x10;
	v9 =	vsel vm15, v8, v9  }
.Ltmp3:
0x169: {  	s31 =	sadd.s32 s2, s30;
	[tilespmem:s1+$0x73C0] =	vst v9;
	(pc) =	sbr.rel @p0 .LBB2_4-.Ltmp3, $4  }
0x16a: {  	[hbm4b:s31+s4] =	stream.linear.scatter [tilespmem:s24], [sflag:$0x2], $0x4000, $0x38;
	[tilespmem:$0xB040] =	vst v63  }
0x16b: {  	_ =	swait.ge [sflag:s15], $0x4000  }
0x16c: {  	[sflag:s15] =	ssyncset.done $0x0  }
0x16d: {  	s28 =	sadd.s32 $0x10, s28;
	[sflag:s15] =	ssyncadd.s32 $0xFFFFC000  }
0x16e: {  	v3 =	vld [tilespmem:$0x1FF30]  }
0x16f: {  	v4 =	vld [tilespmem:$0x1FF40]  }
0x170: {  	v5 =	vld [tilespmem:$0x1FF50]  }
0x171: {  	s3 =	rddreg [dreg:$0x6];
	v6 =	vld [tilespmem:$0x1FF60]  }
0x172: {  	s1 =	rddreg [dreg:$0x5];
	v7 =	vld [tilespmem:$0x1FF70];
	s3 =	sadd.s32 $0x1, s3  }
0x173: {  	v8 =	vld [tilespmem:$0x1FF80];
	p0 =	sne.s32 s3, s1  }
.Ltmp4:
0x174: {  	v2 =	vld [tilespmem:$0x1FF90];
	(pc) =	sbr.rel @p0 .LBB2_1-.Ltmp4, $4  }
0x175: {  	v10 =	vld [tilespmem:$0x1FFA0]  }
0x176: {  	v11 =	vld [tilespmem:$0x1FFB0]  }
0x177: {  	v12 =	vld [tilespmem:$0x1FFC0]  }
0x178: {  	v9 =	vld [tilespmem:$0x1FFD0]  }
0x179: {  	_ =	sfence.sel $0x180000  }
0x17a: {  	[bflag:$0x0] =	sbarrier.arrive $0xFFFF  }
0x17b: {  	_ =	strace $0x90000047  }
0x17c: {  	s0 =	stileid.u32;
	[bflag:$0x2] =	sbarrier.arrive $0xFFFF  }
0x17d: {  	p0 =	sne.s32 s0, $0x0;
	s0 =	rddreg [dreg:$0x3]  }
0x17e: {  	s0 =	sadd.s32 @!p0 $0x100000, s0  }
0x17f: {  	[sflag:s0] =	ssyncadd.tile.s32 @!p0 $0x1;
	_ =	shalt  }
.Lfunc_end2:
_tile_overlayer_lowered:
.L_overlay_start_2:
0x180: {  	(tag) =	ssettag $0x2  }
0x181: {  	s0 =	rddreg [dreg:$0x0];
	s2 =	stileid.u32  }
0x182: {  	s1 =	rddreg [dreg:$0x1];
	p0 =	sne.s32 s2, $0x0  }
0x183: {  	s3 =	rddreg [dreg:$0x2];
	[bflag:$0x3] =	sbarrier.arrive $0xFFFF;
	s2 =	simm.s32 @!p0 $0x1C02  }
0x184: {  	[timem:s3], [sflag:s2] =	dma.local @!p0 [hbm:s0], s1  }
0x185: {  	s0 =	simm.s32 @!p0 $0x2  }
0x186: {  	_ =	swait.ge @!p0 [sflag:s0], s1  }
0x187: {  	s1 =	ssub.s32 @!p0 $0x0, s1;
	[sflag:s0] =	ssyncset.done @!p0 $0x0  }
0x188: {  	[sflag:s0] =	ssyncadd.s32 @!p0 s1  }
0x189: {  	[bflag:$0x3] =	sbarrier.arrive $0xFFFF  }
0x18a: {  	_ =	shalt  }

</sc_bundles>
